<compile_context>
chip_gen: v7x
topology: tpu7x:2x2x1
jax: 0.10.2.dev20260603
libtpu: 0.0.44.dev20260713+nightly
codegen_flags: <defaults>
</compile_context>

<pallas_src>
import jax
import jax.numpy as jnp
from jax import lax
from jax.experimental import pallas as pl
from jax.experimental.pallas import tpu as pltpu
from jax.experimental.pallas import tpu_sc as plsc

N_NODES = 10000
N_EDGES = 160000
D = 256
NC = 2
NS = 16
EPW = 5120
EPAD = EPW * NS * NC
CH = 128
NCH = EPW // CH
NCH0 = 20
NCH1 = 2 * NCH - NCH0
NCHMAX = NCH1
RPW = 624
RTAIL = N_NODES - RPW * NS
AROWS = N_NODES + 8
DRPW = 632
DEGROWS = DRPW * NS
ROWBLK = 2000
GRID = N_NODES // ROWBLK



def _sc_degree_body(dst_ref, ones_ref, zeros_ref, deg_ref, ones_v, didx_v, hist_sh):
    c = lax.axis_index("c")
    s = lax.axis_index("s")
    pltpu.sync_copy(zeros_ref.at[pl.ds(s * DRPW, DRPW)], hist_sh.at[pl.ds(s * DRPW, DRPW)])
    pltpu.sync_copy(ones_ref, ones_v)
    plsc.subcore_barrier()

    def chunk(k, carry):
        base = s * (EPW * NC) + k * CH
        pltpu.sync_copy(dst_ref.at[pl.ds(base, CH)], didx_v)
        pltpu.sync_copy(ones_v, hist_sh.at[didx_v], add=True)
        return carry

    lax.fori_loop(0, NCH * NC, chunk, 0)
    plsc.subcore_barrier()

    @pl.when(c == 0)
    def _():
        pltpu.sync_copy(hist_sh.at[pl.ds(s * RPW, RPW)], deg_ref.at[pl.ds(s * RPW, RPW)])

    @pl.when((c == 0) & (s == NS - 1))
    def _():
        pltpu.sync_copy(hist_sh.at[pl.ds(RPW * NS, RTAIL)], deg_ref.at[pl.ds(RPW * NS, RTAIL)])


def _sc_degree(dstp, ones16, zeros16):
    f = pl.kernel(
        _sc_degree_body,
        out_type=jax.ShapeDtypeStruct((N_NODES, 16), jnp.float32),
        mesh=plsc.VectorSubcoreMesh(core_axis_name="c", subcore_axis_name="s"),
        scratch_types=[
            pltpu.VMEM((CH, 16), jnp.float32),
            pltpu.VMEM((CH,), jnp.int32),
            pltpu.VMEM_SHARED((DEGROWS, 16), jnp.float32),
        ],
        compiler_params=pltpu.CompilerParams(use_tc_tiling_on_sc=False),
    )
    return f(dstp, ones16, zeros16)


def _sc_scatter_body(y_ref, zeros_ref, src_ref, dst_ref, out_ref, sidx_v, didx_v,
                     rows_v, acc_sh, sem0, sem1):
    c = lax.axis_index("c")
    s = lax.axis_index("s")
    rbase = s * RPW
    @pl.when(c == 0)
    def _():
        pltpu.sync_copy(y_ref.at[pl.ds(rbase, RPW)], acc_sh.at[pl.ds(rbase, RPW)])

        @pl.when(s == NS - 1)
        def _():
            pltpu.sync_copy(y_ref.at[pl.ds(RPW * NS, RTAIL)],
                            acc_sh.at[pl.ds(RPW * NS, RTAIL)])

    @pl.when(c == 1)
    def _():
        pltpu.sync_copy(zeros_ref.at[pl.ds(rbase, RPW)], acc_sh.at[pl.ds(rbase, RPW)])

        @pl.when(s == NS - 1)
        def _():
            pltpu.sync_copy(zeros_ref.at[pl.ds(RPW * NS, RTAIL)],
                            acc_sh.at[pl.ds(RPW * NS, RTAIL)])

    nch_c = jnp.where(c == 0, NCH0, NCH1)
    base_row = jnp.where(c == 0, s * NCH0, NS * NCH0 + s * NCH1)
    pltpu.sync_copy(src_ref.at[pl.ds(base_row, NCHMAX)], sidx_v)
    pltpu.sync_copy(dst_ref.at[pl.ds(base_row, NCHMAX)], didx_v)
    plsc.subcore_barrier()

    sems = (sem0, sem1)
    pltpu.async_copy(y_ref.at[sidx_v.at[0]], rows_v.at[0], sem0)
    pltpu.async_copy(y_ref.at[sidx_v.at[1]], rows_v.at[1], sem1)

    def pair(i, carry):
        for b in range(2):
            k = i * 2 + b
            sem = sems[b]
            pltpu.make_async_copy(y_ref.at[sidx_v.at[0]], rows_v.at[b], sem).wait()
            pltpu.sync_copy(rows_v.at[b], acc_sh.at[didx_v.at[k]], add=True)

            @pl.when(k + 2 < nch_c)
            def _(k=k, b=b, sem=sem):
                pltpu.async_copy(y_ref.at[sidx_v.at[k + 2]], rows_v.at[b], sem)

        return carry

    lax.fori_loop(0, nch_c // 2, pair, 0)
    plsc.subcore_barrier()
    pltpu.sync_copy(acc_sh.at[pl.ds(rbase, RPW)], out_ref.at[pl.ds(c * N_NODES + rbase, RPW)])

    @pl.when(s == NS - 1)
    def _():
        pltpu.sync_copy(acc_sh.at[pl.ds(RPW * NS, RTAIL)],
                        out_ref.at[pl.ds(c * N_NODES + RPW * NS, RTAIL)])


def _sc_scatter(ybf, zbf, src_off, dstv):
    f = pl.kernel(
        _sc_scatter_body,
        out_type=jax.ShapeDtypeStruct((NC * N_NODES, D), jnp.bfloat16),
        mesh=plsc.VectorSubcoreMesh(core_axis_name="c", subcore_axis_name="s"),
        scratch_types=[
            pltpu.VMEM((NCHMAX, CH), jnp.int32),
            pltpu.VMEM((NCHMAX, CH), jnp.int32),
            pltpu.VMEM((2, CH, D), jnp.bfloat16),
            pltpu.VMEM_SHARED((AROWS, D), jnp.bfloat16),
            pltpu.SemaphoreType.DMA,
            pltpu.SemaphoreType.DMA,
        ],
        compiler_params=pltpu.CompilerParams(use_tc_tiling_on_sc=False,
                                             needs_layout_passes=False),
    )
    return f(ybf, zbf, src_off, dstv)



def _tc1_body(deg_ref, x_ref, w_ref, o_ref):
    dis = lax.rsqrt(deg_ref[...] + 1.0)
    xw = jnp.dot(x_ref[...], w_ref[...], preferred_element_type=jnp.float32)
    o_ref[...] = (xw * dis).astype(jnp.bfloat16)


def _tc1(degc, x, w):
    return pl.pallas_call(
        _tc1_body,
        grid=(GRID,),
        in_specs=[
            pl.BlockSpec((ROWBLK, 1), lambda i: (i, 0)),
            pl.BlockSpec((ROWBLK, D), lambda i: (i, 0)),
            pl.BlockSpec((D, D), lambda i: (0, 0)),
        ],
        out_specs=pl.BlockSpec((ROWBLK, D), lambda i: (i, 0)),
        out_shape=jax.ShapeDtypeStruct((N_NODES, D), jnp.bfloat16),
    )(degc, x, w)


def _tc2_body(deg_ref, a_ref, b_ref, w_ref, o_ref):
    dis = lax.rsqrt(deg_ref[...] + 1.0)
    acc = a_ref[0].astype(jnp.float32) + a_ref[1].astype(jnp.float32)
    h = jnp.maximum(acc * dis + b_ref[...], 0.0)
    xw = jnp.dot(h, w_ref[...], preferred_element_type=jnp.float32)
    o_ref[...] = (xw * dis).astype(jnp.bfloat16)


def _tc2(degc, accp, b, w):
    return pl.pallas_call(
        _tc2_body,
        grid=(GRID,),
        in_specs=[
            pl.BlockSpec((ROWBLK, 1), lambda i: (i, 0)),
            pl.BlockSpec((NC, ROWBLK, D), lambda i: (0, i, 0)),
            pl.BlockSpec((1, D), lambda i: (0, 0)),
            pl.BlockSpec((D, D), lambda i: (0, 0)),
        ],
        out_specs=pl.BlockSpec((ROWBLK, D), lambda i: (i, 0)),
        out_shape=jax.ShapeDtypeStruct((N_NODES, D), jnp.bfloat16),
    )(degc, accp, b, w)


def _tc3_body(deg_ref, a_ref, b_ref, o_ref):
    dis = lax.rsqrt(deg_ref[...] + 1.0)
    acc = a_ref[0].astype(jnp.float32) + a_ref[1].astype(jnp.float32)
    z = acc * dis + b_ref[...]
    m = jnp.max(z, axis=1, keepdims=True)
    e = jnp.exp(z - m)
    o_ref[...] = e / jnp.sum(e, axis=1, keepdims=True)


def _tc3(degc, accp, b):
    return pl.pallas_call(
        _tc3_body,
        grid=(GRID,),
        in_specs=[
            pl.BlockSpec((ROWBLK, 1), lambda i: (i, 0)),
            pl.BlockSpec((NC, ROWBLK, D), lambda i: (0, i, 0)),
            pl.BlockSpec((1, D), lambda i: (0, 0)),
        ],
        out_specs=pl.BlockSpec((ROWBLK, D), lambda i: (i, 0)),
        out_shape=jax.ShapeDtypeStruct((N_NODES, D), jnp.float32),
    )(degc, accp, b)



def kernel(feature, edge_index, W0, b0, W1, b1):
    src = edge_index[0]
    dst = edge_index[1]
    pad = EPAD - N_EDGES
    srcp = jnp.concatenate([src, jnp.zeros((pad,), src.dtype)])
    dstp = jnp.concatenate([dst, jnp.full((pad,), N_NODES, dst.dtype)])
    srcv = srcp.reshape(NC * NS * NCH, CH)
    dstv = dstp.reshape(NC * NS * NCH, CH)
    ones16 = jnp.ones((CH, 16), jnp.float32)
    zeros16 = jnp.zeros((DEGROWS, 16), jnp.float32)
    zbf = jnp.zeros((N_NODES, D), jnp.bfloat16)

    deg16 = _sc_degree(dstp, ones16, zeros16)
    degc = deg16[:, 0:1]

    y0 = _tc1(degc, feature, W0)
    acc0 = _sc_scatter(y0, zbf, srcv, dstv)
    y1 = _tc2(degc, acc0.reshape(NC, N_NODES, D), b0.reshape(1, D), W1)
    acc1 = _sc_scatter(y1, zbf, srcv, dstv)
    return _tc3(degc, acc1.reshape(NC, N_NODES, D), b1.reshape(1, D))

# --- scband reference (transcript-rebuilt; emitter-appended) ---
"""Pipeline reference for scband-gcn-34900904248094 (READ-ONLY COPY).

The authoritative reference and input builder live on the scoring server;
editing this copy changes nothing except your own understanding.
"""

import jax, jax.numpy as jnp
import numpy as np

N_NODES = 10000
N_EDGES = 160000
D_IN = 256
D_HID = 256
D_OUT = 256


def _xavier(key, fan_in, fan_out):
    limit = float(np.sqrt(6.0 / (fan_in + fan_out)))
    return jax.random.uniform(key, (fan_in, fan_out), minval=-limit, maxval=limit, dtype=jnp.float32)


def gcn_conv(x, edge_index, W, b):
    # PyG-style GCNConv: x' = D^{-1/2} (A + I) D^{-1/2} X W + b
    n = x.shape[0]
    x = x @ W
    loop = jnp.arange(n, dtype=edge_index.dtype)
    src = jnp.concatenate([edge_index[0], loop])
    dst = jnp.concatenate([edge_index[1], loop])
    ones = jnp.ones(src.shape[0], dtype=x.dtype)
    deg = jax.ops.segment_sum(ones, dst, num_segments=n)
    dis = jnp.where(deg > 0, jax.lax.rsqrt(jnp.maximum(deg, 1e-12)), 0.0)
    norm = dis[src] * dis[dst]
    msg = x[src] * norm[:, None]
    out = jax.ops.segment_sum(msg, dst, num_segments=n)
    return out + b


def setup_inputs(seed: int = 0) -> dict:
    key = jax.random.key(seed)
    k1, k2, k3, k4 = jax.random.split(key, 4)
    feature = jax.random.normal(k1, (N_NODES, D_IN), dtype=jnp.float32)
    edge_index = jax.random.randint(k2, (2, N_EDGES), 0, N_NODES, dtype=jnp.int32)
    W0 = _xavier(k3, D_IN, D_HID)
    b0 = jnp.zeros((D_HID,), dtype=jnp.float32)
    W1 = _xavier(k4, D_HID, D_OUT)
    b1 = jnp.zeros((D_OUT,), dtype=jnp.float32)
    return {"feature": feature, "edge_index": edge_index, "W0": W0, "b0": b0, "W1": W1, "b1": b1}


def reference(feature, edge_index, W0, b0, W1, b1):
    h = gcn_conv(feature, edge_index, W0, b0)
    h = jax.nn.relu(h)
    # dropout is identity in eval mode (training=False)
    h = gcn_conv(h, edge_index, W1, b1)
    return jax.nn.softmax(h, axis=1)

if __name__ == "__main__":
    import jax
    _d = setup_inputs()
    print(jax.jit(kernel)(*tuple(_d.values())))

</pallas_src>

<mosaic_0001>
#map = affine_map<(d0, d1) -> (0)>
#map1 = affine_map<(d0, d1) -> (0, 0)>
module attributes {stable_mosaic.version = 14 : i64} {
  func.func @_sc_degree_body(%arg0: i32, %arg1: i32, %arg2: memref<163840xi32, #tpu.memory_space<hbm>>, %arg3: memref<128x16xf32, #tpu.memory_space<hbm>>, %arg4: memref<10112x16xf32, #tpu.memory_space<hbm>>, %arg5: memref<10000x16xf32, #tpu.memory_space<hbm>>, %arg6: memref<128x16xf32, #tpu.memory_space<vmem>>, %arg7: memref<128xi32, #tpu.memory_space<vmem>>, %arg8: memref<10112x16xf32, #tpu.memory_space<vmem_shared>>) attributes {dimension_semantics = [#tpu.dimension_semantics<core_parallel>, #tpu.dimension_semantics<subcore_parallel>], iteration_bounds = array<i64: 2, 16>, scalar_prefetch = 0 : i64, scratch_operands = 3 : i64, tpu.core_type = #tpu.core_type<sc_vector_subcore>, window_params = [{transform_indices = #map}, {transform_indices = #map1}, {transform_indices = #map1}, {transform_indices = #map1}]} {
    %mul3A = arith.constant 632 : i32
    %mul3A_0 = arith.muli %arg1, %mul3A : i32
    %mul3A_1 = arith.constant 632 : i32
    %mul3A_2 = arith.muli %arg1, %mul3A_1 : i32
    "tpu.region"() ({
      %run_scoped3A = tpu.sem_alloc : memref<!tpu.dma_semaphore, #tpu.memory_space<semaphore_mem>>
      %dma_start3A = arith.constant 0 : i32
      %dma_start3A_18 = tpu.memref_slice %arg8[%mul3A_2, %dma_start3A] : memref<10112x16xf32, #tpu.memory_space<vmem_shared>> -> memref<632x16xf32, #tpu.memory_space<vmem_shared>>
      %dma_start3A_19 = arith.constant 0 : i32
      %dma_start3A_20 = tpu.memref_slice %arg4[%mul3A_0, %dma_start3A_19] : memref<10112x16xf32, #tpu.memory_space<hbm>> -> memref<632x16xf32, #tpu.memory_space<hbm>>
      tpu.enqueue_dma source(%dma_start3A_20 : memref<632x16xf32, #tpu.memory_space<hbm>>) target(%dma_start3A_18 : memref<632x16xf32, #tpu.memory_space<vmem_shared>>) target_semaphore(%run_scoped3A : memref<!tpu.dma_semaphore, #tpu.memory_space<semaphore_mem>>)
      %dma_wait3A = arith.constant 0 : i32
      %dma_wait3A_21 = tpu.memref_slice %arg8[%mul3A_2, %dma_wait3A] : memref<10112x16xf32, #tpu.memory_space<vmem_shared>> -> memref<632x16xf32, #tpu.memory_space<vmem_shared>>
      %dma_wait3A_22 = arith.constant 0 : i32
      %dma_wait3A_23 = tpu.memref_slice %arg4[%mul3A_0, %dma_wait3A_22] : memref<10112x16xf32, #tpu.memory_space<hbm>> -> memref<632x16xf32, #tpu.memory_space<hbm>>
      tpu.wait_dma2 semaphore(%run_scoped3A : memref<!tpu.dma_semaphore, #tpu.memory_space<semaphore_mem>>) src(%dma_wait3A_23 : memref<632x16xf32, #tpu.memory_space<hbm>>) dst(%dma_wait3A_21 : memref<632x16xf32, #tpu.memory_space<vmem_shared>>)
      tpu.yield
    }) : () -> ()
    "tpu.region"() ({
      %run_scoped3A = tpu.sem_alloc : memref<!tpu.dma_semaphore, #tpu.memory_space<semaphore_mem>>
      tpu.enqueue_dma source(%arg3 : memref<128x16xf32, #tpu.memory_space<hbm>>) target(%arg6 : memref<128x16xf32, #tpu.memory_space<vmem>>) target_semaphore(%run_scoped3A : memref<!tpu.dma_semaphore, #tpu.memory_space<semaphore_mem>>)
      tpu.wait_dma2 semaphore(%run_scoped3A : memref<!tpu.dma_semaphore, #tpu.memory_space<semaphore_mem>>) src(%arg3 : memref<128x16xf32, #tpu.memory_space<hbm>>) dst(%arg6 : memref<128x16xf32, #tpu.memory_space<vmem>>)
      tpu.yield
    }) : () -> ()
    %barrier3A = arith.constant 0 : index
    tpu.barrier barrier_id(%barrier3A)
    %scan3A = arith.constant 0 : i32
    %scan3A_3 = arith.constant 0 : i32
    %scan3A_4 = arith.constant 80 : i32
    %scan3A_5 = arith.addi %scan3A_3, %scan3A_4 : i32
    %scan3A_6 = arith.constant 1 : i32
    scf.for %scan3A_18 = %scan3A_3 to %scan3A_5 step %scan3A_6  : i32 {
      %mul3A_19 = arith.constant 10240 : i32
      %mul3A_20 = arith.muli %arg1, %mul3A_19 : i32
      %mul3A_21 = arith.constant 128 : i32
      %mul3A_22 = arith.muli %scan3A_18, %mul3A_21 : i32
      %add3A = arith.addi %mul3A_20, %mul3A_22 : i32
      "tpu.region"() ({
        %run_scoped3A = tpu.sem_alloc : memref<!tpu.dma_semaphore, #tpu.memory_space<semaphore_mem>>
        %dma_start3A = tpu.memref_slice %arg2[%add3A] : memref<163840xi32, #tpu.memory_space<hbm>> -> memref<128xi32, #tpu.memory_space<hbm>>
        %dma_start3A_23 = tpu.memref_slice %arg2[%add3A] : memref<163840xi32, #tpu.memory_space<hbm>> -> memref<128xi32, #tpu.memory_space<hbm>>
        tpu.enqueue_dma source(%dma_start3A_23 : memref<128xi32, #tpu.memory_space<hbm>>) target(%arg7 : memref<128xi32, #tpu.memory_space<vmem>>) target_semaphore(%run_scoped3A : memref<!tpu.dma_semaphore, #tpu.memory_space<semaphore_mem>>)
        %dma_wait3A = tpu.memref_slice %arg2[%add3A] : memref<163840xi32, #tpu.memory_space<hbm>> -> memref<128xi32, #tpu.memory_space<hbm>>
        %dma_wait3A_24 = tpu.memref_slice %arg2[%add3A] : memref<163840xi32, #tpu.memory_space<hbm>> -> memref<128xi32, #tpu.memory_space<hbm>>
        tpu.wait_dma2 semaphore(%run_scoped3A : memref<!tpu.dma_semaphore, #tpu.memory_space<semaphore_mem>>) src(%dma_wait3A_24 : memref<128xi32, #tpu.memory_space<hbm>>) dst(%arg7 : memref<128xi32, #tpu.memory_space<vmem>>)
        tpu.yield
      }) : () -> ()
      "tpu.region"() ({
        %run_scoped3A = tpu.sem_alloc : memref<!tpu.dma_semaphore, #tpu.memory_space<semaphore_mem>>
        %dma_start3A = arith.constant 0 : i32
        %dma_start3A_23 = arith.constant 0 : i32
        %dma_start3A_24 = tpu.memref_slice %arg8[%dma_start3A, %dma_start3A_23] : memref<10112x16xf32, #tpu.memory_space<vmem_shared>> -> memref<10112x16xf32, #tpu.memory_space<vmem_shared>>
        tpu.enqueue_indirect_dma source(%arg6 : memref<128x16xf32, #tpu.memory_space<vmem>>) target(%dma_start3A_24 : memref<10112x16xf32, #tpu.memory_space<vmem_shared>>) offsets(%arg7 : memref<128xi32, #tpu.memory_space<vmem>>) semaphore(%run_scoped3A : memref<!tpu.dma_semaphore, #tpu.memory_space<semaphore_mem>>) {add = true}
        %dma_wait3A = arith.constant 0 : i32
        %dma_wait3A_25 = arith.constant 0 : i32
        %dma_wait3A_26 = tpu.memref_slice %arg8[%dma_wait3A, %dma_wait3A_25] : memref<10112x16xf32, #tpu.memory_space<vmem_shared>> -> memref<10112x16xf32, #tpu.memory_space<vmem_shared>>
        tpu.wait_indirect_dma semaphore(%run_scoped3A : memref<!tpu.dma_semaphore, #tpu.memory_space<semaphore_mem>>) src(%arg6 : memref<128x16xf32, #tpu.memory_space<vmem>>) dst(%dma_wait3A_26 : memref<10112x16xf32, #tpu.memory_space<vmem_shared>>)
        tpu.yield
      }) : () -> ()
    }
    %scan3A_7 = arith.constant 80 : i32
    %barrier3A_8 = arith.constant 0 : index
    tpu.barrier barrier_id(%barrier3A_8)
    %eq3A = arith.constant 0 : i32
    %eq3A_9 = arith.cmpi eq, %arg0, %eq3A : i32
    %convert_element_type3A = arith.extui %eq3A_9 : i1 to i32
    %cond3A = arith.constant 0 : i32
    %cond3A_10 = arith.cmpi ne, %convert_element_type3A, %cond3A : i32
    scf.if %cond3A_10 {
      %mul3A_18 = arith.constant 624 : i32
      %mul3A_19 = arith.muli %arg1, %mul3A_18 : i32
      %mul3A_20 = arith.constant 624 : i32
      %mul3A_21 = arith.muli %arg1, %mul3A_20 : i32
      "tpu.region"() ({
        %run_scoped3A = tpu.sem_alloc : memref<!tpu.dma_semaphore, #tpu.memory_space<semaphore_mem>>
        %dma_start3A = arith.constant 0 : i32
        %dma_start3A_22 = tpu.memref_slice %arg5[%mul3A_21, %dma_start3A] : memref<10000x16xf32, #tpu.memory_space<hbm>> -> memref<624x16xf32, #tpu.memory_space<hbm>>
        %dma_start3A_23 = arith.constant 0 : i32
        %dma_start3A_24 = tpu.memref_slice %arg8[%mul3A_19, %dma_start3A_23] : memref<10112x16xf32, #tpu.memory_space<vmem_shared>> -> memref<624x16xf32, #tpu.memory_space<vmem_shared>>
        tpu.enqueue_dma source(%dma_start3A_24 : memref<624x16xf32, #tpu.memory_space<vmem_shared>>) target(%dma_start3A_22 : memref<624x16xf32, #tpu.memory_space<hbm>>) target_semaphore(%run_scoped3A : memref<!tpu.dma_semaphore, #tpu.memory_space<semaphore_mem>>)
        %dma_wait3A = arith.constant 0 : i32
        %dma_wait3A_25 = tpu.memref_slice %arg5[%mul3A_21, %dma_wait3A] : memref<10000x16xf32, #tpu.memory_space<hbm>> -> memref<624x16xf32, #tpu.memory_space<hbm>>
        %dma_wait3A_26 = arith.constant 0 : i32
        %dma_wait3A_27 = tpu.memref_slice %arg8[%mul3A_19, %dma_wait3A_26] : memref<10112x16xf32, #tpu.memory_space<vmem_shared>> -> memref<624x16xf32, #tpu.memory_space<vmem_shared>>
        tpu.wait_dma2 semaphore(%run_scoped3A : memref<!tpu.dma_semaphore, #tpu.memory_space<semaphore_mem>>) src(%dma_wait3A_27 : memref<624x16xf32, #tpu.memory_space<vmem_shared>>) dst(%dma_wait3A_25 : memref<624x16xf32, #tpu.memory_space<hbm>>)
        tpu.yield
      }) : () -> ()
    } else {
    }
    %eq3A_11 = arith.constant 0 : i32
    %eq3A_12 = arith.cmpi eq, %arg0, %eq3A_11 : i32
    %eq3A_13 = arith.constant 15 : i32
    %eq3A_14 = arith.cmpi eq, %arg1, %eq3A_13 : i32
    %and3A = arith.andi %eq3A_12, %eq3A_14 : i1
    %convert_element_type3A_15 = arith.extui %and3A : i1 to i32
    %cond3A_16 = arith.constant 0 : i32
    %cond3A_17 = arith.cmpi ne, %convert_element_type3A_15, %cond3A_16 : i32
    scf.if %cond3A_17 {
      "tpu.region"() ({
        %run_scoped3A = tpu.sem_alloc : memref<!tpu.dma_semaphore, #tpu.memory_space<semaphore_mem>>
        %dma_start3A = arith.constant 9984 : i32
        %dma_start3A_18 = arith.constant 0 : i32
        %dma_start3A_19 = tpu.memref_slice %arg5[%dma_start3A, %dma_start3A_18] : memref<10000x16xf32, #tpu.memory_space<hbm>> -> memref<16x16xf32, #tpu.memory_space<hbm>>
        %dma_start3A_20 = arith.constant 9984 : i32
        %dma_start3A_21 = arith.constant 0 : i32
        %dma_start3A_22 = tpu.memref_slice %arg8[%dma_start3A_20, %dma_start3A_21] : memref<10112x16xf32, #tpu.memory_space<vmem_shared>> -> memref<16x16xf32, #tpu.memory_space<vmem_shared>>
        tpu.enqueue_dma source(%dma_start3A_22 : memref<16x16xf32, #tpu.memory_space<vmem_shared>>) target(%dma_start3A_19 : memref<16x16xf32, #tpu.memory_space<hbm>>) target_semaphore(%run_scoped3A : memref<!tpu.dma_semaphore, #tpu.memory_space<semaphore_mem>>)
        %dma_wait3A = arith.constant 9984 : i32
        %dma_wait3A_23 = arith.constant 0 : i32
        %dma_wait3A_24 = tpu.memref_slice %arg5[%dma_wait3A, %dma_wait3A_23] : memref<10000x16xf32, #tpu.memory_space<hbm>> -> memref<16x16xf32, #tpu.memory_space<hbm>>
        %dma_wait3A_25 = arith.constant 9984 : i32
        %dma_wait3A_26 = arith.constant 0 : i32
        %dma_wait3A_27 = tpu.memref_slice %arg8[%dma_wait3A_25, %dma_wait3A_26] : memref<10112x16xf32, #tpu.memory_space<vmem_shared>> -> memref<16x16xf32, #tpu.memory_space<vmem_shared>>
        tpu.wait_dma2 semaphore(%run_scoped3A : memref<!tpu.dma_semaphore, #tpu.memory_space<semaphore_mem>>) src(%dma_wait3A_27 : memref<16x16xf32, #tpu.memory_space<vmem_shared>>) dst(%dma_wait3A_24 : memref<16x16xf32, #tpu.memory_space<hbm>>)
        tpu.yield
      }) : () -> ()
    } else {
    }
    return
  }
}

#map = affine_map<(d0, d1) -> (0, 0)>
module attributes {stable_mosaic.version = 14 : i64} {
  func.func @_sc_scatter_body(%arg0: i32, %arg1: i32, %arg2: memref<10000x256xbf16, #tpu.memory_space<hbm>>, %arg3: memref<10000x256xbf16, #tpu.memory_space<hbm>>, %arg4: memref<1280x128xi32, #tpu.memory_space<hbm>>, %arg5: memref<1280x128xi32, #tpu.memory_space<hbm>>, %arg6: memref<20000x256xbf16, #tpu.memory_space<hbm>>, %arg7: memref<60x128xi32, #tpu.memory_space<vmem>>, %arg8: memref<60x128xi32, #tpu.memory_space<vmem>>, %arg9: memref<2x128x256xbf16, #tpu.memory_space<vmem>>, %arg10: memref<10008x256xbf16, #tpu.memory_space<vmem_shared>>, %arg11: memref<!tpu.dma_semaphore, #tpu.memory_space<semaphore_mem>>, %arg12: memref<!tpu.dma_semaphore, #tpu.memory_space<semaphore_mem>>) attributes {dimension_semantics = [#tpu.dimension_semantics<core_parallel>, #tpu.dimension_semantics<subcore_parallel>], iteration_bounds = array<i64: 2, 16>, scalar_prefetch = 0 : i64, scratch_operands = 6 : i64, tpu.core_type = #tpu.core_type<sc_vector_subcore>, window_params = [{transform_indices = #map}, {transform_indices = #map}, {transform_indices = #map}, {transform_indices = #map}, {transform_indices = #map}]} {
    %mul3A = arith.constant 624 : i32
    %mul3A_0 = arith.muli %arg1, %mul3A : i32
    %eq3A = arith.constant 0 : i32
    %eq3A_1 = arith.cmpi eq, %arg0, %eq3A : i32
    %convert_element_type3A = arith.extui %eq3A_1 : i1 to i32
    %cond3A = arith.constant 0 : i32
    %cond3A_2 = arith.cmpi ne, %convert_element_type3A, %cond3A : i32
    scf.if %cond3A_2 {
      "tpu.region"() ({
        %run_scoped3A = tpu.sem_alloc : memref<!tpu.dma_semaphore, #tpu.memory_space<semaphore_mem>>
        %dma_start3A_83 = arith.constant 0 : i32
        %dma_start3A_84 = tpu.memref_slice %arg10[%mul3A_0, %dma_start3A_83] : memref<10008x256xbf16, #tpu.memory_space<vmem_shared>> -> memref<624x256xbf16, #tpu.memory_space<vmem_shared>>
        %dma_start3A_85 = arith.constant 0 : i32
        %dma_start3A_86 = tpu.memref_slice %arg2[%mul3A_0, %dma_start3A_85] : memref<10000x256xbf16, #tpu.memory_space<hbm>> -> memref<624x256xbf16, #tpu.memory_space<hbm>>
        tpu.enqueue_dma source(%dma_start3A_86 : memref<624x256xbf16, #tpu.memory_space<hbm>>) target(%dma_start3A_84 : memref<624x256xbf16, #tpu.memory_space<vmem_shared>>) target_semaphore(%run_scoped3A : memref<!tpu.dma_semaphore, #tpu.memory_space<semaphore_mem>>)
        %dma_wait3A = arith.constant 0 : i32
        %dma_wait3A_87 = tpu.memref_slice %arg10[%mul3A_0, %dma_wait3A] : memref<10008x256xbf16, #tpu.memory_space<vmem_shared>> -> memref<624x256xbf16, #tpu.memory_space<vmem_shared>>
        %dma_wait3A_88 = arith.constant 0 : i32
        %dma_wait3A_89 = tpu.memref_slice %arg2[%mul3A_0, %dma_wait3A_88] : memref<10000x256xbf16, #tpu.memory_space<hbm>> -> memref<624x256xbf16, #tpu.memory_space<hbm>>
        tpu.wait_dma2 semaphore(%run_scoped3A : memref<!tpu.dma_semaphore, #tpu.memory_space<semaphore_mem>>) src(%dma_wait3A_89 : memref<624x256xbf16, #tpu.memory_space<hbm>>) dst(%dma_wait3A_87 : memref<624x256xbf16, #tpu.memory_space<vmem_shared>>)
        tpu.yield
      }) : () -> ()
      %eq3A_78 = arith.constant 15 : i32
      %eq3A_79 = arith.cmpi eq, %arg1, %eq3A_78 : i32
      %convert_element_type3A_80 = arith.extui %eq3A_79 : i1 to i32
      %cond3A_81 = arith.constant 0 : i32
      %cond3A_82 = arith.cmpi ne, %convert_element_type3A_80, %cond3A_81 : i32
      scf.if %cond3A_82 {
        "tpu.region"() ({
          %run_scoped3A = tpu.sem_alloc : memref<!tpu.dma_semaphore, #tpu.memory_space<semaphore_mem>>
          %dma_start3A_83 = arith.constant 9984 : i32
          %dma_start3A_84 = arith.constant 0 : i32
          %dma_start3A_85 = tpu.memref_slice %arg10[%dma_start3A_83, %dma_start3A_84] : memref<10008x256xbf16, #tpu.memory_space<vmem_shared>> -> memref<16x256xbf16, #tpu.memory_space<vmem_shared>>
          %dma_start3A_86 = arith.constant 9984 : i32
          %dma_start3A_87 = arith.constant 0 : i32
          %dma_start3A_88 = tpu.memref_slice %arg2[%dma_start3A_86, %dma_start3A_87] : memref<10000x256xbf16, #tpu.memory_space<hbm>> -> memref<16x256xbf16, #tpu.memory_space<hbm>>
          tpu.enqueue_dma source(%dma_start3A_88 : memref<16x256xbf16, #tpu.memory_space<hbm>>) target(%dma_start3A_85 : memref<16x256xbf16, #tpu.memory_space<vmem_shared>>) target_semaphore(%run_scoped3A : memref<!tpu.dma_semaphore, #tpu.memory_space<semaphore_mem>>)
          %dma_wait3A = arith.constant 9984 : i32
          %dma_wait3A_89 = arith.constant 0 : i32
          %dma_wait3A_90 = tpu.memref_slice %arg10[%dma_wait3A, %dma_wait3A_89] : memref<10008x256xbf16, #tpu.memory_space<vmem_shared>> -> memref<16x256xbf16, #tpu.memory_space<vmem_shared>>
          %dma_wait3A_91 = arith.constant 9984 : i32
          %dma_wait3A_92 = arith.constant 0 : i32
          %dma_wait3A_93 = tpu.memref_slice %arg2[%dma_wait3A_91, %dma_wait3A_92] : memref<10000x256xbf16, #tpu.memory_space<hbm>> -> memref<16x256xbf16, #tpu.memory_space<hbm>>
          tpu.wait_dma2 semaphore(%run_scoped3A : memref<!tpu.dma_semaphore, #tpu.memory_space<semaphore_mem>>) src(%dma_wait3A_93 : memref<16x256xbf16, #tpu.memory_space<hbm>>) dst(%dma_wait3A_90 : memref<16x256xbf16, #tpu.memory_space<vmem_shared>>)
          tpu.yield
        }) : () -> ()
      } else {
      }
    } else {
    }
    %eq3A_3 = arith.constant 1 : i32
    %eq3A_4 = arith.cmpi eq, %arg0, %eq3A_3 : i32
    %convert_element_type3A_5 = arith.extui %eq3A_4 : i1 to i32
    %cond3A_6 = arith.constant 0 : i32
    %cond3A_7 = arith.cmpi ne, %convert_element_type3A_5, %cond3A_6 : i32
    scf.if %cond3A_7 {
      "tpu.region"() ({
        %run_scoped3A = tpu.sem_alloc : memref<!tpu.dma_semaphore, #tpu.memory_space<semaphore_mem>>
        %dma_start3A_83 = arith.constant 0 : i32
        %dma_start3A_84 = tpu.memref_slice %arg10[%mul3A_0, %dma_start3A_83] : memref<10008x256xbf16, #tpu.memory_space<vmem_shared>> -> memref<624x256xbf16, #tpu.memory_space<vmem_shared>>
        %dma_start3A_85 = arith.constant 0 : i32
        %dma_start3A_86 = tpu.memref_slice %arg3[%mul3A_0, %dma_start3A_85] : memref<10000x256xbf16, #tpu.memory_space<hbm>> -> memref<624x256xbf16, #tpu.memory_space<hbm>>
        tpu.enqueue_dma source(%dma_start3A_86 : memref<624x256xbf16, #tpu.memory_space<hbm>>) target(%dma_start3A_84 : memref<624x256xbf16, #tpu.memory_space<vmem_shared>>) target_semaphore(%run_scoped3A : memref<!tpu.dma_semaphore, #tpu.memory_space<semaphore_mem>>)
        %dma_wait3A = arith.constant 0 : i32
        %dma_wait3A_87 = tpu.memref_slice %arg10[%mul3A_0, %dma_wait3A] : memref<10008x256xbf16, #tpu.memory_space<vmem_shared>> -> memref<624x256xbf16, #tpu.memory_space<vmem_shared>>
        %dma_wait3A_88 = arith.constant 0 : i32
        %dma_wait3A_89 = tpu.memref_slice %arg3[%mul3A_0, %dma_wait3A_88] : memref<10000x256xbf16, #tpu.memory_space<hbm>> -> memref<624x256xbf16, #tpu.memory_space<hbm>>
        tpu.wait_dma2 semaphore(%run_scoped3A : memref<!tpu.dma_semaphore, #tpu.memory_space<semaphore_mem>>) src(%dma_wait3A_89 : memref<624x256xbf16, #tpu.memory_space<hbm>>) dst(%dma_wait3A_87 : memref<624x256xbf16, #tpu.memory_space<vmem_shared>>)
        tpu.yield
      }) : () -> ()
      %eq3A_78 = arith.constant 15 : i32
      %eq3A_79 = arith.cmpi eq, %arg1, %eq3A_78 : i32
      %convert_element_type3A_80 = arith.extui %eq3A_79 : i1 to i32
      %cond3A_81 = arith.constant 0 : i32
      %cond3A_82 = arith.cmpi ne, %convert_element_type3A_80, %cond3A_81 : i32
      scf.if %cond3A_82 {
        "tpu.region"() ({
          %run_scoped3A = tpu.sem_alloc : memref<!tpu.dma_semaphore, #tpu.memory_space<semaphore_mem>>
          %dma_start3A_83 = arith.constant 9984 : i32
          %dma_start3A_84 = arith.constant 0 : i32
          %dma_start3A_85 = tpu.memref_slice %arg10[%dma_start3A_83, %dma_start3A_84] : memref<10008x256xbf16, #tpu.memory_space<vmem_shared>> -> memref<16x256xbf16, #tpu.memory_space<vmem_shared>>
          %dma_start3A_86 = arith.constant 9984 : i32
          %dma_start3A_87 = arith.constant 0 : i32
          %dma_start3A_88 = tpu.memref_slice %arg3[%dma_start3A_86, %dma_start3A_87] : memref<10000x256xbf16, #tpu.memory_space<hbm>> -> memref<16x256xbf16, #tpu.memory_space<hbm>>
          tpu.enqueue_dma source(%dma_start3A_88 : memref<16x256xbf16, #tpu.memory_space<hbm>>) target(%dma_start3A_85 : memref<16x256xbf16, #tpu.memory_space<vmem_shared>>) target_semaphore(%run_scoped3A : memref<!tpu.dma_semaphore, #tpu.memory_space<semaphore_mem>>)
          %dma_wait3A = arith.constant 9984 : i32
          %dma_wait3A_89 = arith.constant 0 : i32
          %dma_wait3A_90 = tpu.memref_slice %arg10[%dma_wait3A, %dma_wait3A_89] : memref<10008x256xbf16, #tpu.memory_space<vmem_shared>> -> memref<16x256xbf16, #tpu.memory_space<vmem_shared>>
          %dma_wait3A_91 = arith.constant 9984 : i32
          %dma_wait3A_92 = arith.constant 0 : i32
          %dma_wait3A_93 = tpu.memref_slice %arg3[%dma_wait3A_91, %dma_wait3A_92] : memref<10000x256xbf16, #tpu.memory_space<hbm>> -> memref<16x256xbf16, #tpu.memory_space<hbm>>
          tpu.wait_dma2 semaphore(%run_scoped3A : memref<!tpu.dma_semaphore, #tpu.memory_space<semaphore_mem>>) src(%dma_wait3A_93 : memref<16x256xbf16, #tpu.memory_space<hbm>>) dst(%dma_wait3A_90 : memref<16x256xbf16, #tpu.memory_space<vmem_shared>>)
          tpu.yield
        }) : () -> ()
      } else {
      }
    } else {
    }
    %eq3A_8 = arith.constant 0 : i32
    %eq3A_9 = arith.cmpi eq, %arg0, %eq3A_8 : i32
    %jit3A = arith.constant 20 : i32
    %jit3A_10 = arith.constant 60 : i32
    %select_n3A = arith.select %eq3A_9, %jit3A, %jit3A_10 : i32
    %eq3A_11 = arith.constant 0 : i32
    %eq3A_12 = arith.cmpi eq, %arg0, %eq3A_11 : i32
    %mul3A_13 = arith.constant 20 : i32
    %mul3A_14 = arith.muli %arg1, %mul3A_13 : i32
    %mul3A_15 = arith.constant 60 : i32
    %mul3A_16 = arith.muli %arg1, %mul3A_15 : i32
    %add3A = arith.constant 320 : i32
    %add3A_17 = arith.addi %add3A, %mul3A_16 : i32
    %select_n3A_18 = arith.select %eq3A_12, %mul3A_14, %add3A_17 : i32
    "tpu.region"() ({
      %run_scoped3A = tpu.sem_alloc : memref<!tpu.dma_semaphore, #tpu.memory_space<semaphore_mem>>
      %dma_start3A_78 = arith.constant 0 : i32
      %dma_start3A_79 = tpu.memref_slice %arg4[%select_n3A_18, %dma_start3A_78] : memref<1280x128xi32, #tpu.memory_space<hbm>> -> memref<60x128xi32, #tpu.memory_space<hbm>>
      %dma_start3A_80 = arith.constant 0 : i32
      %dma_start3A_81 = tpu.memref_slice %arg4[%select_n3A_18, %dma_start3A_80] : memref<1280x128xi32, #tpu.memory_space<hbm>> -> memref<60x128xi32, #tpu.memory_space<hbm>>
      tpu.enqueue_dma source(%dma_start3A_81 : memref<60x128xi32, #tpu.memory_space<hbm>>) target(%arg7 : memref<60x128xi32, #tpu.memory_space<vmem>>) target_semaphore(%run_scoped3A : memref<!tpu.dma_semaphore, #tpu.memory_space<semaphore_mem>>)
      %dma_wait3A = arith.constant 0 : i32
      %dma_wait3A_82 = tpu.memref_slice %arg4[%select_n3A_18, %dma_wait3A] : memref<1280x128xi32, #tpu.memory_space<hbm>> -> memref<60x128xi32, #tpu.memory_space<hbm>>
      %dma_wait3A_83 = arith.constant 0 : i32
      %dma_wait3A_84 = tpu.memref_slice %arg4[%select_n3A_18, %dma_wait3A_83] : memref<1280x128xi32, #tpu.memory_space<hbm>> -> memref<60x128xi32, #tpu.memory_space<hbm>>
      tpu.wait_dma2 semaphore(%run_scoped3A : memref<!tpu.dma_semaphore, #tpu.memory_space<semaphore_mem>>) src(%dma_wait3A_84 : memref<60x128xi32, #tpu.memory_space<hbm>>) dst(%arg7 : memref<60x128xi32, #tpu.memory_space<vmem>>)
      tpu.yield
    }) : () -> ()
    "tpu.region"() ({
      %run_scoped3A = tpu.sem_alloc : memref<!tpu.dma_semaphore, #tpu.memory_space<semaphore_mem>>
      %dma_start3A_78 = arith.constant 0 : i32
      %dma_start3A_79 = tpu.memref_slice %arg5[%select_n3A_18, %dma_start3A_78] : memref<1280x128xi32, #tpu.memory_space<hbm>> -> memref<60x128xi32, #tpu.memory_space<hbm>>
      %dma_start3A_80 = arith.constant 0 : i32
      %dma_start3A_81 = tpu.memref_slice %arg5[%select_n3A_18, %dma_start3A_80] : memref<1280x128xi32, #tpu.memory_space<hbm>> -> memref<60x128xi32, #tpu.memory_space<hbm>>
      tpu.enqueue_dma source(%dma_start3A_81 : memref<60x128xi32, #tpu.memory_space<hbm>>) target(%arg8 : memref<60x128xi32, #tpu.memory_space<vmem>>) target_semaphore(%run_scoped3A : memref<!tpu.dma_semaphore, #tpu.memory_space<semaphore_mem>>)
      %dma_wait3A = arith.constant 0 : i32
      %dma_wait3A_82 = tpu.memref_slice %arg5[%select_n3A_18, %dma_wait3A] : memref<1280x128xi32, #tpu.memory_space<hbm>> -> memref<60x128xi32, #tpu.memory_space<hbm>>
      %dma_wait3A_83 = arith.constant 0 : i32
      %dma_wait3A_84 = tpu.memref_slice %arg5[%select_n3A_18, %dma_wait3A_83] : memref<1280x128xi32, #tpu.memory_space<hbm>> -> memref<60x128xi32, #tpu.memory_space<hbm>>
      tpu.wait_dma2 semaphore(%run_scoped3A : memref<!tpu.dma_semaphore, #tpu.memory_space<semaphore_mem>>) src(%dma_wait3A_84 : memref<60x128xi32, #tpu.memory_space<hbm>>) dst(%arg8 : memref<60x128xi32, #tpu.memory_space<vmem>>)
      tpu.yield
    }) : () -> ()
    %barrier3A = arith.constant 0 : index
    tpu.barrier barrier_id(%barrier3A)
    %dma_start3A = arith.constant 0 : i32
    %dma_start3A_19 = arith.constant 0 : i32
    %dma_start3A_20 = arith.constant 0 : i32
    %dma_start3A_21 = arith.constant 0 : i32
    %dma_start3A_22 = tpu.memref_slice %arg9[%dma_start3A_19, %dma_start3A_20, %dma_start3A_21] : memref<2x128x256xbf16, #tpu.memory_space<vmem>> -> memref<1x128x256xbf16, #tpu.memory_space<vmem>>
    %dma_start3A_23 = tpu.memref_squeeze %dma_start3A_22 : memref<1x128x256xbf16, #tpu.memory_space<vmem>> -> memref<128x256xbf16, #tpu.memory_space<vmem>>
    %dma_start3A_24 = arith.constant 0 : i32
    %dma_start3A_25 = tpu.memref_slice %arg7[%dma_start3A, %dma_start3A_24] : memref<60x128xi32, #tpu.memory_space<vmem>> -> memref<1x128xi32, #tpu.memory_space<vmem>>
    %dma_start3A_26 = tpu.memref_squeeze %dma_start3A_25 : memref<1x128xi32, #tpu.memory_space<vmem>> -> memref<128xi32, #tpu.memory_space<vmem>>
    %dma_start3A_27 = arith.constant 0 : i32
    %dma_start3A_28 = arith.constant 0 : i32
    %dma_start3A_29 = tpu.memref_slice %arg2[%dma_start3A_27, %dma_start3A_28] : memref<10000x256xbf16, #tpu.memory_space<hbm>> -> memref<10000x256xbf16, #tpu.memory_space<hbm>>
    tpu.enqueue_indirect_dma source(%dma_start3A_29 : memref<10000x256xbf16, #tpu.memory_space<hbm>>) target(%dma_start3A_23 : memref<128x256xbf16, #tpu.memory_space<vmem>>) offsets(%dma_start3A_26 : memref<128xi32, #tpu.memory_space<vmem>>) semaphore(%arg11 : memref<!tpu.dma_semaphore, #tpu.memory_space<semaphore_mem>>)
    %dma_start3A_30 = arith.constant 1 : i32
    %dma_start3A_31 = arith.constant 1 : i32
    %dma_start3A_32 = arith.constant 0 : i32
    %dma_start3A_33 = arith.constant 0 : i32
    %dma_start3A_34 = tpu.memref_slice %arg9[%dma_start3A_31, %dma_start3A_32, %dma_start3A_33] : memref<2x128x256xbf16, #tpu.memory_space<vmem>> -> memref<1x128x256xbf16, #tpu.memory_space<vmem>>
    %dma_start3A_35 = tpu.memref_squeeze %dma_start3A_34 : memref<1x128x256xbf16, #tpu.memory_space<vmem>> -> memref<128x256xbf16, #tpu.memory_space<vmem>>
    %dma_start3A_36 = arith.constant 0 : i32
    %dma_start3A_37 = tpu.memref_slice %arg7[%dma_start3A_30, %dma_start3A_36] : memref<60x128xi32, #tpu.memory_space<vmem>> -> memref<1x128xi32, #tpu.memory_space<vmem>>
    %dma_start3A_38 = tpu.memref_squeeze %dma_start3A_37 : memref<1x128xi32, #tpu.memory_space<vmem>> -> memref<128xi32, #tpu.memory_space<vmem>>
    %dma_start3A_39 = arith.constant 0 : i32
    %dma_start3A_40 = arith.constant 0 : i32
    %dma_start3A_41 = tpu.memref_slice %arg2[%dma_start3A_39, %dma_start3A_40] : memref<10000x256xbf16, #tpu.memory_space<hbm>> -> memref<10000x256xbf16, #tpu.memory_space<hbm>>
    tpu.enqueue_indirect_dma source(%dma_start3A_41 : memref<10000x256xbf16, #tpu.memory_space<hbm>>) target(%dma_start3A_35 : memref<128x256xbf16, #tpu.memory_space<vmem>>) offsets(%dma_start3A_38 : memref<128xi32, #tpu.memory_space<vmem>>) semaphore(%arg12 : memref<!tpu.dma_semaphore, #tpu.memory_space<semaphore_mem>>)
    %jit3A_42 = arith.constant 2 : i32
    %div3A = arith.divsi %select_n3A, %jit3A_42 : i32
    %sign3A = arith.constant 0 : i32
    %sign3A_43 = arith.cmpi sgt, %select_n3A, %sign3A : i32
    %sign3A_44 = arith.extui %sign3A_43 : i1 to i32
    %sign3A_45 = arith.constant 0 : i32
    %sign3A_46 = arith.cmpi slt, %select_n3A, %sign3A_45 : i32
    %sign3A_47 = arith.extui %sign3A_46 : i1 to i32
    %sign3A_48 = arith.subi %sign3A_44, %sign3A_47 : i32
    %sign3A_49 = arith.constant 0 : i32
    %sign3A_50 = arith.cmpi sgt, %jit3A_42, %sign3A_49 : i32
    %sign3A_51 = arith.extui %sign3A_50 : i1 to i32
    %sign3A_52 = arith.constant 0 : i32
    %sign3A_53 = arith.cmpi slt, %jit3A_42, %sign3A_52 : i32
    %sign3A_54 = arith.extui %sign3A_53 : i1 to i32
    %sign3A_55 = arith.subi %sign3A_51, %sign3A_54 : i32
    %ne3A = arith.cmpi ne, %sign3A_48, %sign3A_55 : i32
    %rem3A = arith.remsi %select_n3A, %jit3A_42 : i32
    %ne3A_56 = arith.constant 0 : i32
    %ne3A_57 = arith.cmpi ne, %rem3A, %ne3A_56 : i32
    %and3A = arith.andi %ne3A, %ne3A_57 : i1
    %sub3A = arith.constant 1 : i32
    %sub3A_58 = arith.subi %div3A, %sub3A : i32
    %select_n3A_59 = arith.select %and3A, %sub3A_58, %div3A : i32
    %while3A = arith.constant 0 : i32
    %while3A_60 = arith.constant 0 : i32
    %while3A_61 = arith.subi %select_n3A_59, %while3A_60 : i32
    %while3A_62 = arith.addi %while3A_60, %while3A_61 : i32
    %while3A_63 = arith.constant 1 : i32
    %while3A_64 = arith.divsi %while3A_61, %while3A_63 : i32
    %while3A_65 = arith.muli %while3A_64, %while3A_63 : i32
    %while3A_66 = arith.addi %while3A_60, %while3A_65 : i32
    %while3A_67 = arith.constant 1 : i32
    scf.for %while3A_78 = %while3A_60 to %while3A_66 step %while3A_67  : i32 {
      %mul3A_79 = arith.constant 2 : i32
      %mul3A_80 = arith.muli %while3A_78, %mul3A_79 : i32
      %add3A_81 = arith.constant 0 : i32
      %add3A_82 = arith.addi %mul3A_80, %add3A_81 : i32
      %dma_wait3A = arith.constant 0 : i32
      %dma_wait3A_83 = arith.constant 0 : i32
      %dma_wait3A_84 = arith.constant 0 : i32
      %dma_wait3A_85 = arith.constant 0 : i32
      %dma_wait3A_86 = tpu.memref_slice %arg9[%dma_wait3A_83, %dma_wait3A_84, %dma_wait3A_85] : memref<2x128x256xbf16, #tpu.memory_space<vmem>> -> memref<1x128x256xbf16, #tpu.memory_space<vmem>>
      %dma_wait3A_87 = tpu.memref_squeeze %dma_wait3A_86 : memref<1x128x256xbf16, #tpu.memory_space<vmem>> -> memref<128x256xbf16, #tpu.memory_space<vmem>>
      %dma_wait3A_88 = arith.constant 0 : i32
      %dma_wait3A_89 = tpu.memref_slice %arg7[%dma_wait3A, %dma_wait3A_88] : memref<60x128xi32, #tpu.memory_space<vmem>> -> memref<1x128xi32, #tpu.memory_space<vmem>>
      %dma_wait3A_90 = tpu.memref_squeeze %dma_wait3A_89 : memref<1x128xi32, #tpu.memory_space<vmem>> -> memref<128xi32, #tpu.memory_space<vmem>>
      %dma_wait3A_91 = arith.constant 0 : i32
      %dma_wait3A_92 = arith.constant 0 : i32
      %dma_wait3A_93 = tpu.memref_slice %arg2[%dma_wait3A_91, %dma_wait3A_92] : memref<10000x256xbf16, #tpu.memory_space<hbm>> -> memref<10000x256xbf16, #tpu.memory_space<hbm>>
      tpu.wait_indirect_dma semaphore(%arg11 : memref<!tpu.dma_semaphore, #tpu.memory_space<semaphore_mem>>) src(%dma_wait3A_93 : memref<10000x256xbf16, #tpu.memory_space<hbm>>) dst(%dma_wait3A_87 : memref<128x256xbf16, #tpu.memory_space<vmem>>)
      %run_scoped3A = arith.constant 0 : i32
      "tpu.region"() ({
        %run_scoped3A_122 = tpu.sem_alloc : memref<!tpu.dma_semaphore, #tpu.memory_space<semaphore_mem>>
        %dma_start3A_123 = arith.constant 0 : i32
        %dma_start3A_124 = arith.constant 0 : i32
        %dma_start3A_125 = tpu.memref_slice %arg9[%run_scoped3A, %dma_start3A_123, %dma_start3A_124] : memref<2x128x256xbf16, #tpu.memory_space<vmem>> -> memref<1x128x256xbf16, #tpu.memory_space<vmem>>
        %dma_start3A_126 = tpu.memref_squeeze %dma_start3A_125 : memref<1x128x256xbf16, #tpu.memory_space<vmem>> -> memref<128x256xbf16, #tpu.memory_space<vmem>>
        %dma_start3A_127 = arith.constant 0 : i32
        %dma_start3A_128 = tpu.memref_slice %arg8[%add3A_82, %dma_start3A_127] : memref<60x128xi32, #tpu.memory_space<vmem>> -> memref<1x128xi32, #tpu.memory_space<vmem>>
        %dma_start3A_129 = tpu.memref_squeeze %dma_start3A_128 : memref<1x128xi32, #tpu.memory_space<vmem>> -> memref<128xi32, #tpu.memory_space<vmem>>
        %dma_start3A_130 = arith.constant 0 : i32
        %dma_start3A_131 = arith.constant 0 : i32
        %dma_start3A_132 = tpu.memref_slice %arg10[%dma_start3A_130, %dma_start3A_131] : memref<10008x256xbf16, #tpu.memory_space<vmem_shared>> -> memref<10008x256xbf16, #tpu.memory_space<vmem_shared>>
        tpu.enqueue_indirect_dma source(%dma_start3A_126 : memref<128x256xbf16, #tpu.memory_space<vmem>>) target(%dma_start3A_132 : memref<10008x256xbf16, #tpu.memory_space<vmem_shared>>) offsets(%dma_start3A_129 : memref<128xi32, #tpu.memory_space<vmem>>) semaphore(%run_scoped3A_122 : memref<!tpu.dma_semaphore, #tpu.memory_space<semaphore_mem>>) {add = true}
        %dma_wait3A_133 = arith.constant 0 : i32
        %dma_wait3A_134 = arith.constant 0 : i32
        %dma_wait3A_135 = tpu.memref_slice %arg9[%run_scoped3A, %dma_wait3A_133, %dma_wait3A_134] : memref<2x128x256xbf16, #tpu.memory_space<vmem>> -> memref<1x128x256xbf16, #tpu.memory_space<vmem>>
        %dma_wait3A_136 = tpu.memref_squeeze %dma_wait3A_135 : memref<1x128x256xbf16, #tpu.memory_space<vmem>> -> memref<128x256xbf16, #tpu.memory_space<vmem>>
        %dma_wait3A_137 = arith.constant 0 : i32
        %dma_wait3A_138 = tpu.memref_slice %arg8[%add3A_82, %dma_wait3A_137] : memref<60x128xi32, #tpu.memory_space<vmem>> -> memref<1x128xi32, #tpu.memory_space<vmem>>
        %dma_wait3A_139 = tpu.memref_squeeze %dma_wait3A_138 : memref<1x128xi32, #tpu.memory_space<vmem>> -> memref<128xi32, #tpu.memory_space<vmem>>
        %dma_wait3A_140 = arith.constant 0 : i32
        %dma_wait3A_141 = arith.constant 0 : i32
        %dma_wait3A_142 = tpu.memref_slice %arg10[%dma_wait3A_140, %dma_wait3A_141] : memref<10008x256xbf16, #tpu.memory_space<vmem_shared>> -> memref<10008x256xbf16, #tpu.memory_space<vmem_shared>>
        tpu.wait_indirect_dma semaphore(%run_scoped3A_122 : memref<!tpu.dma_semaphore, #tpu.memory_space<semaphore_mem>>) src(%dma_wait3A_136 : memref<128x256xbf16, #tpu.memory_space<vmem>>) dst(%dma_wait3A_142 : memref<10008x256xbf16, #tpu.memory_space<vmem_shared>>)
        tpu.yield
      }) : () -> ()
      %add3A_94 = arith.constant 2 : i32
      %add3A_95 = arith.addi %add3A_82, %add3A_94 : i32
      %lt3A = arith.cmpi slt, %add3A_95, %select_n3A : i32
      %convert_element_type3A_96 = arith.extui %lt3A : i1 to i32
      %cond3A_97 = arith.constant 0 : i32
      %cond3A_98 = arith.cmpi ne, %convert_element_type3A_96, %cond3A_97 : i32
      scf.if %cond3A_98 {
        %add3A_122 = arith.constant 2 : i32
        %add3A_123 = arith.addi %add3A_82, %add3A_122 : i32
        %dma_start3A_124 = arith.constant 0 : i32
        %dma_start3A_125 = arith.constant 0 : i32
        %dma_start3A_126 = arith.constant 0 : i32
        %dma_start3A_127 = tpu.memref_slice %arg9[%dma_start3A_124, %dma_start3A_125, %dma_start3A_126] : memref<2x128x256xbf16, #tpu.memory_space<vmem>> -> memref<1x128x256xbf16, #tpu.memory_space<vmem>>
        %dma_start3A_128 = tpu.memref_squeeze %dma_start3A_127 : memref<1x128x256xbf16, #tpu.memory_space<vmem>> -> memref<128x256xbf16, #tpu.memory_space<vmem>>
        %dma_start3A_129 = arith.constant 0 : i32
        %dma_start3A_130 = tpu.memref_slice %arg7[%add3A_123, %dma_start3A_129] : memref<60x128xi32, #tpu.memory_space<vmem>> -> memref<1x128xi32, #tpu.memory_space<vmem>>
        %dma_start3A_131 = tpu.memref_squeeze %dma_start3A_130 : memref<1x128xi32, #tpu.memory_space<vmem>> -> memref<128xi32, #tpu.memory_space<vmem>>
        %dma_start3A_132 = arith.constant 0 : i32
        %dma_start3A_133 = arith.constant 0 : i32
        %dma_start3A_134 = tpu.memref_slice %arg2[%dma_start3A_132, %dma_start3A_133] : memref<10000x256xbf16, #tpu.memory_space<hbm>> -> memref<10000x256xbf16, #tpu.memory_space<hbm>>
        tpu.enqueue_indirect_dma source(%dma_start3A_134 : memref<10000x256xbf16, #tpu.memory_space<hbm>>) target(%dma_start3A_128 : memref<128x256xbf16, #tpu.memory_space<vmem>>) offsets(%dma_start3A_131 : memref<128xi32, #tpu.memory_space<vmem>>) semaphore(%arg11 : memref<!tpu.dma_semaphore, #tpu.memory_space<semaphore_mem>>)
      } else {
      }
      %mul3A_99 = arith.constant 2 : i32
      %mul3A_100 = arith.muli %while3A_78, %mul3A_99 : i32
      %add3A_101 = arith.constant 1 : i32
      %add3A_102 = arith.addi %mul3A_100, %add3A_101 : i32
      %dma_wait3A_103 = arith.constant 0 : i32
      %dma_wait3A_104 = arith.constant 1 : i32
      %dma_wait3A_105 = arith.constant 0 : i32
      %dma_wait3A_106 = arith.constant 0 : i32
      %dma_wait3A_107 = tpu.memref_slice %arg9[%dma_wait3A_104, %dma_wait3A_105, %dma_wait3A_106] : memref<2x128x256xbf16, #tpu.memory_space<vmem>> -> memref<1x128x256xbf16, #tpu.memory_space<vmem>>
      %dma_wait3A_108 = tpu.memref_squeeze %dma_wait3A_107 : memref<1x128x256xbf16, #tpu.memory_space<vmem>> -> memref<128x256xbf16, #tpu.memory_space<vmem>>
      %dma_wait3A_109 = arith.constant 0 : i32
      %dma_wait3A_110 = tpu.memref_slice %arg7[%dma_wait3A_103, %dma_wait3A_109] : memref<60x128xi32, #tpu.memory_space<vmem>> -> memref<1x128xi32, #tpu.memory_space<vmem>>
      %dma_wait3A_111 = tpu.memref_squeeze %dma_wait3A_110 : memref<1x128xi32, #tpu.memory_space<vmem>> -> memref<128xi32, #tpu.memory_space<vmem>>
      %dma_wait3A_112 = arith.constant 0 : i32
      %dma_wait3A_113 = arith.constant 0 : i32
      %dma_wait3A_114 = tpu.memref_slice %arg2[%dma_wait3A_112, %dma_wait3A_113] : memref<10000x256xbf16, #tpu.memory_space<hbm>> -> memref<10000x256xbf16, #tpu.memory_space<hbm>>
      tpu.wait_indirect_dma semaphore(%arg12 : memref<!tpu.dma_semaphore, #tpu.memory_space<semaphore_mem>>) src(%dma_wait3A_114 : memref<10000x256xbf16, #tpu.memory_space<hbm>>) dst(%dma_wait3A_108 : memref<128x256xbf16, #tpu.memory_space<vmem>>)
      %run_scoped3A_115 = arith.constant 1 : i32
      "tpu.region"() ({
        %run_scoped3A_122 = tpu.sem_alloc : memref<!tpu.dma_semaphore, #tpu.memory_space<semaphore_mem>>
        %dma_start3A_123 = arith.constant 0 : i32
        %dma_start3A_124 = arith.constant 0 : i32
        %dma_start3A_125 = tpu.memref_slice %arg9[%run_scoped3A_115, %dma_start3A_123, %dma_start3A_124] : memref<2x128x256xbf16, #tpu.memory_space<vmem>> -> memref<1x128x256xbf16, #tpu.memory_space<vmem>>
        %dma_start3A_126 = tpu.memref_squeeze %dma_start3A_125 : memref<1x128x256xbf16, #tpu.memory_space<vmem>> -> memref<128x256xbf16, #tpu.memory_space<vmem>>
        %dma_start3A_127 = arith.constant 0 : i32
        %dma_start3A_128 = tpu.memref_slice %arg8[%add3A_102, %dma_start3A_127] : memref<60x128xi32, #tpu.memory_space<vmem>> -> memref<1x128xi32, #tpu.memory_space<vmem>>
        %dma_start3A_129 = tpu.memref_squeeze %dma_start3A_128 : memref<1x128xi32, #tpu.memory_space<vmem>> -> memref<128xi32, #tpu.memory_space<vmem>>
        %dma_start3A_130 = arith.constant 0 : i32
        %dma_start3A_131 = arith.constant 0 : i32
        %dma_start3A_132 = tpu.memref_slice %arg10[%dma_start3A_130, %dma_start3A_131] : memref<10008x256xbf16, #tpu.memory_space<vmem_shared>> -> memref<10008x256xbf16, #tpu.memory_space<vmem_shared>>
        tpu.enqueue_indirect_dma source(%dma_start3A_126 : memref<128x256xbf16, #tpu.memory_space<vmem>>) target(%dma_start3A_132 : memref<10008x256xbf16, #tpu.memory_space<vmem_shared>>) offsets(%dma_start3A_129 : memref<128xi32, #tpu.memory_space<vmem>>) semaphore(%run_scoped3A_122 : memref<!tpu.dma_semaphore, #tpu.memory_space<semaphore_mem>>) {add = true}
        %dma_wait3A_133 = arith.constant 0 : i32
        %dma_wait3A_134 = arith.constant 0 : i32
        %dma_wait3A_135 = tpu.memref_slice %arg9[%run_scoped3A_115, %dma_wait3A_133, %dma_wait3A_134] : memref<2x128x256xbf16, #tpu.memory_space<vmem>> -> memref<1x128x256xbf16, #tpu.memory_space<vmem>>
        %dma_wait3A_136 = tpu.memref_squeeze %dma_wait3A_135 : memref<1x128x256xbf16, #tpu.memory_space<vmem>> -> memref<128x256xbf16, #tpu.memory_space<vmem>>
        %dma_wait3A_137 = arith.constant 0 : i32
        %dma_wait3A_138 = tpu.memref_slice %arg8[%add3A_102, %dma_wait3A_137] : memref<60x128xi32, #tpu.memory_space<vmem>> -> memref<1x128xi32, #tpu.memory_space<vmem>>
        %dma_wait3A_139 = tpu.memref_squeeze %dma_wait3A_138 : memref<1x128xi32, #tpu.memory_space<vmem>> -> memref<128xi32, #tpu.memory_space<vmem>>
        %dma_wait3A_140 = arith.constant 0 : i32
        %dma_wait3A_141 = arith.constant 0 : i32
        %dma_wait3A_142 = tpu.memref_slice %arg10[%dma_wait3A_140, %dma_wait3A_141] : memref<10008x256xbf16, #tpu.memory_space<vmem_shared>> -> memref<10008x256xbf16, #tpu.memory_space<vmem_shared>>
        tpu.wait_indirect_dma semaphore(%run_scoped3A_122 : memref<!tpu.dma_semaphore, #tpu.memory_space<semaphore_mem>>) src(%dma_wait3A_136 : memref<128x256xbf16, #tpu.memory_space<vmem>>) dst(%dma_wait3A_142 : memref<10008x256xbf16, #tpu.memory_space<vmem_shared>>)
        tpu.yield
      }) : () -> ()
      %add3A_116 = arith.constant 2 : i32
      %add3A_117 = arith.addi %add3A_102, %add3A_116 : i32
      %lt3A_118 = arith.cmpi slt, %add3A_117, %select_n3A : i32
      %convert_element_type3A_119 = arith.extui %lt3A_118 : i1 to i32
      %cond3A_120 = arith.constant 0 : i32
      %cond3A_121 = arith.cmpi ne, %convert_element_type3A_119, %cond3A_120 : i32
      scf.if %cond3A_121 {
        %add3A_122 = arith.constant 2 : i32
        %add3A_123 = arith.addi %add3A_102, %add3A_122 : i32
        %dma_start3A_124 = arith.constant 1 : i32
        %dma_start3A_125 = arith.constant 0 : i32
        %dma_start3A_126 = arith.constant 0 : i32
        %dma_start3A_127 = tpu.memref_slice %arg9[%dma_start3A_124, %dma_start3A_125, %dma_start3A_126] : memref<2x128x256xbf16, #tpu.memory_space<vmem>> -> memref<1x128x256xbf16, #tpu.memory_space<vmem>>
        %dma_start3A_128 = tpu.memref_squeeze %dma_start3A_127 : memref<1x128x256xbf16, #tpu.memory_space<vmem>> -> memref<128x256xbf16, #tpu.memory_space<vmem>>
        %dma_start3A_129 = arith.constant 0 : i32
        %dma_start3A_130 = tpu.memref_slice %arg7[%add3A_123, %dma_start3A_129] : memref<60x128xi32, #tpu.memory_space<vmem>> -> memref<1x128xi32, #tpu.memory_space<vmem>>
        %dma_start3A_131 = tpu.memref_squeeze %dma_start3A_130 : memref<1x128xi32, #tpu.memory_space<vmem>> -> memref<128xi32, #tpu.memory_space<vmem>>
        %dma_start3A_132 = arith.constant 0 : i32
        %dma_start3A_133 = arith.constant 0 : i32
        %dma_start3A_134 = tpu.memref_slice %arg2[%dma_start3A_132, %dma_start3A_133] : memref<10000x256xbf16, #tpu.memory_space<hbm>> -> memref<10000x256xbf16, #tpu.memory_space<hbm>>
        tpu.enqueue_indirect_dma source(%dma_start3A_134 : memref<10000x256xbf16, #tpu.memory_space<hbm>>) target(%dma_start3A_128 : memref<128x256xbf16, #tpu.memory_space<vmem>>) offsets(%dma_start3A_131 : memref<128xi32, #tpu.memory_space<vmem>>) semaphore(%arg12 : memref<!tpu.dma_semaphore, #tpu.memory_space<semaphore_mem>>)
      } else {
      }
    }
    %while3A_68 = arith.constant 1 : i32
    scf.for %while3A_78 = %while3A_66 to %while3A_62 step %while3A_68  : i32 {
      %mul3A_79 = arith.constant 2 : i32
      %mul3A_80 = arith.muli %while3A_78, %mul3A_79 : i32
      %add3A_81 = arith.constant 0 : i32
      %add3A_82 = arith.addi %mul3A_80, %add3A_81 : i32
      %dma_wait3A = arith.constant 0 : i32
      %dma_wait3A_83 = arith.constant 0 : i32
      %dma_wait3A_84 = arith.constant 0 : i32
      %dma_wait3A_85 = arith.constant 0 : i32
      %dma_wait3A_86 = tpu.memref_slice %arg9[%dma_wait3A_83, %dma_wait3A_84, %dma_wait3A_85] : memref<2x128x256xbf16, #tpu.memory_space<vmem>> -> memref<1x128x256xbf16, #tpu.memory_space<vmem>>
      %dma_wait3A_87 = tpu.memref_squeeze %dma_wait3A_86 : memref<1x128x256xbf16, #tpu.memory_space<vmem>> -> memref<128x256xbf16, #tpu.memory_space<vmem>>
      %dma_wait3A_88 = arith.constant 0 : i32
      %dma_wait3A_89 = tpu.memref_slice %arg7[%dma_wait3A, %dma_wait3A_88] : memref<60x128xi32, #tpu.memory_space<vmem>> -> memref<1x128xi32, #tpu.memory_space<vmem>>
      %dma_wait3A_90 = tpu.memref_squeeze %dma_wait3A_89 : memref<1x128xi32, #tpu.memory_space<vmem>> -> memref<128xi32, #tpu.memory_space<vmem>>
      %dma_wait3A_91 = arith.constant 0 : i32
      %dma_wait3A_92 = arith.constant 0 : i32
      %dma_wait3A_93 = tpu.memref_slice %arg2[%dma_wait3A_91, %dma_wait3A_92] : memref<10000x256xbf16, #tpu.memory_space<hbm>> -> memref<10000x256xbf16, #tpu.memory_space<hbm>>
      tpu.wait_indirect_dma semaphore(%arg11 : memref<!tpu.dma_semaphore, #tpu.memory_space<semaphore_mem>>) src(%dma_wait3A_93 : memref<10000x256xbf16, #tpu.memory_space<hbm>>) dst(%dma_wait3A_87 : memref<128x256xbf16, #tpu.memory_space<vmem>>)
      %run_scoped3A = arith.constant 0 : i32
      "tpu.region"() ({
        %run_scoped3A_122 = tpu.sem_alloc : memref<!tpu.dma_semaphore, #tpu.memory_space<semaphore_mem>>
        %dma_start3A_123 = arith.constant 0 : i32
        %dma_start3A_124 = arith.constant 0 : i32
        %dma_start3A_125 = tpu.memref_slice %arg9[%run_scoped3A, %dma_start3A_123, %dma_start3A_124] : memref<2x128x256xbf16, #tpu.memory_space<vmem>> -> memref<1x128x256xbf16, #tpu.memory_space<vmem>>
        %dma_start3A_126 = tpu.memref_squeeze %dma_start3A_125 : memref<1x128x256xbf16, #tpu.memory_space<vmem>> -> memref<128x256xbf16, #tpu.memory_space<vmem>>
        %dma_start3A_127 = arith.constant 0 : i32
        %dma_start3A_128 = tpu.memref_slice %arg8[%add3A_82, %dma_start3A_127] : memref<60x128xi32, #tpu.memory_space<vmem>> -> memref<1x128xi32, #tpu.memory_space<vmem>>
        %dma_start3A_129 = tpu.memref_squeeze %dma_start3A_128 : memref<1x128xi32, #tpu.memory_space<vmem>> -> memref<128xi32, #tpu.memory_space<vmem>>
        %dma_start3A_130 = arith.constant 0 : i32
        %dma_start3A_131 = arith.constant 0 : i32
        %dma_start3A_132 = tpu.memref_slice %arg10[%dma_start3A_130, %dma_start3A_131] : memref<10008x256xbf16, #tpu.memory_space<vmem_shared>> -> memref<10008x256xbf16, #tpu.memory_space<vmem_shared>>
        tpu.enqueue_indirect_dma source(%dma_start3A_126 : memref<128x256xbf16, #tpu.memory_space<vmem>>) target(%dma_start3A_132 : memref<10008x256xbf16, #tpu.memory_space<vmem_shared>>) offsets(%dma_start3A_129 : memref<128xi32, #tpu.memory_space<vmem>>) semaphore(%run_scoped3A_122 : memref<!tpu.dma_semaphore, #tpu.memory_space<semaphore_mem>>) {add = true}
        %dma_wait3A_133 = arith.constant 0 : i32
        %dma_wait3A_134 = arith.constant 0 : i32
        %dma_wait3A_135 = tpu.memref_slice %arg9[%run_scoped3A, %dma_wait3A_133, %dma_wait3A_134] : memref<2x128x256xbf16, #tpu.memory_space<vmem>> -> memref<1x128x256xbf16, #tpu.memory_space<vmem>>
        %dma_wait3A_136 = tpu.memref_squeeze %dma_wait3A_135 : memref<1x128x256xbf16, #tpu.memory_space<vmem>> -> memref<128x256xbf16, #tpu.memory_space<vmem>>
        %dma_wait3A_137 = arith.constant 0 : i32
        %dma_wait3A_138 = tpu.memref_slice %arg8[%add3A_82, %dma_wait3A_137] : memref<60x128xi32, #tpu.memory_space<vmem>> -> memref<1x128xi32, #tpu.memory_space<vmem>>
        %dma_wait3A_139 = tpu.memref_squeeze %dma_wait3A_138 : memref<1x128xi32, #tpu.memory_space<vmem>> -> memref<128xi32, #tpu.memory_space<vmem>>
        %dma_wait3A_140 = arith.constant 0 : i32
        %dma_wait3A_141 = arith.constant 0 : i32
        %dma_wait3A_142 = tpu.memref_slice %arg10[%dma_wait3A_140, %dma_wait3A_141] : memref<10008x256xbf16, #tpu.memory_space<vmem_shared>> -> memref<10008x256xbf16, #tpu.memory_space<vmem_shared>>
        tpu.wait_indirect_dma semaphore(%run_scoped3A_122 : memref<!tpu.dma_semaphore, #tpu.memory_space<semaphore_mem>>) src(%dma_wait3A_136 : memref<128x256xbf16, #tpu.memory_space<vmem>>) dst(%dma_wait3A_142 : memref<10008x256xbf16, #tpu.memory_space<vmem_shared>>)
        tpu.yield
      }) : () -> ()
      %add3A_94 = arith.constant 2 : i32
      %add3A_95 = arith.addi %add3A_82, %add3A_94 : i32
      %lt3A = arith.cmpi slt, %add3A_95, %select_n3A : i32
      %convert_element_type3A_96 = arith.extui %lt3A : i1 to i32
      %cond3A_97 = arith.constant 0 : i32
      %cond3A_98 = arith.cmpi ne, %convert_element_type3A_96, %cond3A_97 : i32
      scf.if %cond3A_98 {
        %add3A_122 = arith.constant 2 : i32
        %add3A_123 = arith.addi %add3A_82, %add3A_122 : i32
        %dma_start3A_124 = arith.constant 0 : i32
        %dma_start3A_125 = arith.constant 0 : i32
        %dma_start3A_126 = arith.constant 0 : i32
        %dma_start3A_127 = tpu.memref_slice %arg9[%dma_start3A_124, %dma_start3A_125, %dma_start3A_126] : memref<2x128x256xbf16, #tpu.memory_space<vmem>> -> memref<1x128x256xbf16, #tpu.memory_space<vmem>>
        %dma_start3A_128 = tpu.memref_squeeze %dma_start3A_127 : memref<1x128x256xbf16, #tpu.memory_space<vmem>> -> memref<128x256xbf16, #tpu.memory_space<vmem>>
        %dma_start3A_129 = arith.constant 0 : i32
        %dma_start3A_130 = tpu.memref_slice %arg7[%add3A_123, %dma_start3A_129] : memref<60x128xi32, #tpu.memory_space<vmem>> -> memref<1x128xi32, #tpu.memory_space<vmem>>
        %dma_start3A_131 = tpu.memref_squeeze %dma_start3A_130 : memref<1x128xi32, #tpu.memory_space<vmem>> -> memref<128xi32, #tpu.memory_space<vmem>>
        %dma_start3A_132 = arith.constant 0 : i32
        %dma_start3A_133 = arith.constant 0 : i32
        %dma_start3A_134 = tpu.memref_slice %arg2[%dma_start3A_132, %dma_start3A_133] : memref<10000x256xbf16, #tpu.memory_space<hbm>> -> memref<10000x256xbf16, #tpu.memory_space<hbm>>
        tpu.enqueue_indirect_dma source(%dma_start3A_134 : memref<10000x256xbf16, #tpu.memory_space<hbm>>) target(%dma_start3A_128 : memref<128x256xbf16, #tpu.memory_space<vmem>>) offsets(%dma_start3A_131 : memref<128xi32, #tpu.memory_space<vmem>>) semaphore(%arg11 : memref<!tpu.dma_semaphore, #tpu.memory_space<semaphore_mem>>)
      } else {
      }
      %mul3A_99 = arith.constant 2 : i32
      %mul3A_100 = arith.muli %while3A_78, %mul3A_99 : i32
      %add3A_101 = arith.constant 1 : i32
      %add3A_102 = arith.addi %mul3A_100, %add3A_101 : i32
      %dma_wait3A_103 = arith.constant 0 : i32
      %dma_wait3A_104 = arith.constant 1 : i32
      %dma_wait3A_105 = arith.constant 0 : i32
      %dma_wait3A_106 = arith.constant 0 : i32
      %dma_wait3A_107 = tpu.memref_slice %arg9[%dma_wait3A_104, %dma_wait3A_105, %dma_wait3A_106] : memref<2x128x256xbf16, #tpu.memory_space<vmem>> -> memref<1x128x256xbf16, #tpu.memory_space<vmem>>
      %dma_wait3A_108 = tpu.memref_squeeze %dma_wait3A_107 : memref<1x128x256xbf16, #tpu.memory_space<vmem>> -> memref<128x256xbf16, #tpu.memory_space<vmem>>
      %dma_wait3A_109 = arith.constant 0 : i32
      %dma_wait3A_110 = tpu.memref_slice %arg7[%dma_wait3A_103, %dma_wait3A_109] : memref<60x128xi32, #tpu.memory_space<vmem>> -> memref<1x128xi32, #tpu.memory_space<vmem>>
      %dma_wait3A_111 = tpu.memref_squeeze %dma_wait3A_110 : memref<1x128xi32, #tpu.memory_space<vmem>> -> memref<128xi32, #tpu.memory_space<vmem>>
      %dma_wait3A_112 = arith.constant 0 : i32
      %dma_wait3A_113 = arith.constant 0 : i32
      %dma_wait3A_114 = tpu.memref_slice %arg2[%dma_wait3A_112, %dma_wait3A_113] : memref<10000x256xbf16, #tpu.memory_space<hbm>> -> memref<10000x256xbf16, #tpu.memory_space<hbm>>
      tpu.wait_indirect_dma semaphore(%arg12 : memref<!tpu.dma_semaphore, #tpu.memory_space<semaphore_mem>>) src(%dma_wait3A_114 : memref<10000x256xbf16, #tpu.memory_space<hbm>>) dst(%dma_wait3A_108 : memref<128x256xbf16, #tpu.memory_space<vmem>>)
      %run_scoped3A_115 = arith.constant 1 : i32
      "tpu.region"() ({
        %run_scoped3A_122 = tpu.sem_alloc : memref<!tpu.dma_semaphore, #tpu.memory_space<semaphore_mem>>
        %dma_start3A_123 = arith.constant 0 : i32
        %dma_start3A_124 = arith.constant 0 : i32
        %dma_start3A_125 = tpu.memref_slice %arg9[%run_scoped3A_115, %dma_start3A_123, %dma_start3A_124] : memref<2x128x256xbf16, #tpu.memory_space<vmem>> -> memref<1x128x256xbf16, #tpu.memory_space<vmem>>
        %dma_start3A_126 = tpu.memref_squeeze %dma_start3A_125 : memref<1x128x256xbf16, #tpu.memory_space<vmem>> -> memref<128x256xbf16, #tpu.memory_space<vmem>>
        %dma_start3A_127 = arith.constant 0 : i32
        %dma_start3A_128 = tpu.memref_slice %arg8[%add3A_102, %dma_start3A_127] : memref<60x128xi32, #tpu.memory_space<vmem>> -> memref<1x128xi32, #tpu.memory_space<vmem>>
        %dma_start3A_129 = tpu.memref_squeeze %dma_start3A_128 : memref<1x128xi32, #tpu.memory_space<vmem>> -> memref<128xi32, #tpu.memory_space<vmem>>
        %dma_start3A_130 = arith.constant 0 : i32
        %dma_start3A_131 = arith.constant 0 : i32
        %dma_start3A_132 = tpu.memref_slice %arg10[%dma_start3A_130, %dma_start3A_131] : memref<10008x256xbf16, #tpu.memory_space<vmem_shared>> -> memref<10008x256xbf16, #tpu.memory_space<vmem_shared>>
        tpu.enqueue_indirect_dma source(%dma_start3A_126 : memref<128x256xbf16, #tpu.memory_space<vmem>>) target(%dma_start3A_132 : memref<10008x256xbf16, #tpu.memory_space<vmem_shared>>) offsets(%dma_start3A_129 : memref<128xi32, #tpu.memory_space<vmem>>) semaphore(%run_scoped3A_122 : memref<!tpu.dma_semaphore, #tpu.memory_space<semaphore_mem>>) {add = true}
        %dma_wait3A_133 = arith.constant 0 : i32
        %dma_wait3A_134 = arith.constant 0 : i32
        %dma_wait3A_135 = tpu.memref_slice %arg9[%run_scoped3A_115, %dma_wait3A_133, %dma_wait3A_134] : memref<2x128x256xbf16, #tpu.memory_space<vmem>> -> memref<1x128x256xbf16, #tpu.memory_space<vmem>>
        %dma_wait3A_136 = tpu.memref_squeeze %dma_wait3A_135 : memref<1x128x256xbf16, #tpu.memory_space<vmem>> -> memref<128x256xbf16, #tpu.memory_space<vmem>>
        %dma_wait3A_137 = arith.constant 0 : i32
        %dma_wait3A_138 = tpu.memref_slice %arg8[%add3A_102, %dma_wait3A_137] : memref<60x128xi32, #tpu.memory_space<vmem>> -> memref<1x128xi32, #tpu.memory_space<vmem>>
        %dma_wait3A_139 = tpu.memref_squeeze %dma_wait3A_138 : memref<1x128xi32, #tpu.memory_space<vmem>> -> memref<128xi32, #tpu.memory_space<vmem>>
        %dma_wait3A_140 = arith.constant 0 : i32
        %dma_wait3A_141 = arith.constant 0 : i32
        %dma_wait3A_142 = tpu.memref_slice %arg10[%dma_wait3A_140, %dma_wait3A_141] : memref<10008x256xbf16, #tpu.memory_space<vmem_shared>> -> memref<10008x256xbf16, #tpu.memory_space<vmem_shared>>
        tpu.wait_indirect_dma semaphore(%run_scoped3A_122 : memref<!tpu.dma_semaphore, #tpu.memory_space<semaphore_mem>>) src(%dma_wait3A_136 : memref<128x256xbf16, #tpu.memory_space<vmem>>) dst(%dma_wait3A_142 : memref<10008x256xbf16, #tpu.memory_space<vmem_shared>>)
        tpu.yield
      }) : () -> ()
      %add3A_116 = arith.constant 2 : i32
      %add3A_117 = arith.addi %add3A_102, %add3A_116 : i32
      %lt3A_118 = arith.cmpi slt, %add3A_117, %select_n3A : i32
      %convert_element_type3A_119 = arith.extui %lt3A_118 : i1 to i32
      %cond3A_120 = arith.constant 0 : i32
      %cond3A_121 = arith.cmpi ne, %convert_element_type3A_119, %cond3A_120 : i32
      scf.if %cond3A_121 {
        %add3A_122 = arith.constant 2 : i32
        %add3A_123 = arith.addi %add3A_102, %add3A_122 : i32
        %dma_start3A_124 = arith.constant 1 : i32
        %dma_start3A_125 = arith.constant 0 : i32
        %dma_start3A_126 = arith.constant 0 : i32
        %dma_start3A_127 = tpu.memref_slice %arg9[%dma_start3A_124, %dma_start3A_125, %dma_start3A_126] : memref<2x128x256xbf16, #tpu.memory_space<vmem>> -> memref<1x128x256xbf16, #tpu.memory_space<vmem>>
        %dma_start3A_128 = tpu.memref_squeeze %dma_start3A_127 : memref<1x128x256xbf16, #tpu.memory_space<vmem>> -> memref<128x256xbf16, #tpu.memory_space<vmem>>
        %dma_start3A_129 = arith.constant 0 : i32
        %dma_start3A_130 = tpu.memref_slice %arg7[%add3A_123, %dma_start3A_129] : memref<60x128xi32, #tpu.memory_space<vmem>> -> memref<1x128xi32, #tpu.memory_space<vmem>>
        %dma_start3A_131 = tpu.memref_squeeze %dma_start3A_130 : memref<1x128xi32, #tpu.memory_space<vmem>> -> memref<128xi32, #tpu.memory_space<vmem>>
        %dma_start3A_132 = arith.constant 0 : i32
        %dma_start3A_133 = arith.constant 0 : i32
        %dma_start3A_134 = tpu.memref_slice %arg2[%dma_start3A_132, %dma_start3A_133] : memref<10000x256xbf16, #tpu.memory_space<hbm>> -> memref<10000x256xbf16, #tpu.memory_space<hbm>>
        tpu.enqueue_indirect_dma source(%dma_start3A_134 : memref<10000x256xbf16, #tpu.memory_space<hbm>>) target(%dma_start3A_128 : memref<128x256xbf16, #tpu.memory_space<vmem>>) offsets(%dma_start3A_131 : memref<128xi32, #tpu.memory_space<vmem>>) semaphore(%arg12 : memref<!tpu.dma_semaphore, #tpu.memory_space<semaphore_mem>>)
      } else {
      }
    }
    %barrier3A_69 = arith.constant 0 : index
    tpu.barrier barrier_id(%barrier3A_69)
    %mul3A_70 = arith.constant 10000 : i32
    %mul3A_71 = arith.muli %arg0, %mul3A_70 : i32
    %add3A_72 = arith.addi %mul3A_71, %mul3A_0 : i32
    "tpu.region"() ({
      %run_scoped3A = tpu.sem_alloc : memref<!tpu.dma_semaphore, #tpu.memory_space<semaphore_mem>>
      %dma_start3A_78 = arith.constant 0 : i32
      %dma_start3A_79 = tpu.memref_slice %arg6[%add3A_72, %dma_start3A_78] : memref<20000x256xbf16, #tpu.memory_space<hbm>> -> memref<624x256xbf16, #tpu.memory_space<hbm>>
      %dma_start3A_80 = arith.constant 0 : i32
      %dma_start3A_81 = tpu.memref_slice %arg10[%mul3A_0, %dma_start3A_80] : memref<10008x256xbf16, #tpu.memory_space<vmem_shared>> -> memref<624x256xbf16, #tpu.memory_space<vmem_shared>>
      tpu.enqueue_dma source(%dma_start3A_81 : memref<624x256xbf16, #tpu.memory_space<vmem_shared>>) target(%dma_start3A_79 : memref<624x256xbf16, #tpu.memory_space<hbm>>) target_semaphore(%run_scoped3A : memref<!tpu.dma_semaphore, #tpu.memory_space<semaphore_mem>>)
      %dma_wait3A = arith.constant 0 : i32
      %dma_wait3A_82 = tpu.memref_slice %arg6[%add3A_72, %dma_wait3A] : memref<20000x256xbf16, #tpu.memory_space<hbm>> -> memref<624x256xbf16, #tpu.memory_space<hbm>>
      %dma_wait3A_83 = arith.constant 0 : i32
      %dma_wait3A_84 = tpu.memref_slice %arg10[%mul3A_0, %dma_wait3A_83] : memref<10008x256xbf16, #tpu.memory_space<vmem_shared>> -> memref<624x256xbf16, #tpu.memory_space<vmem_shared>>
      tpu.wait_dma2 semaphore(%run_scoped3A : memref<!tpu.dma_semaphore, #tpu.memory_space<semaphore_mem>>) src(%dma_wait3A_84 : memref<624x256xbf16, #tpu.memory_space<vmem_shared>>) dst(%dma_wait3A_82 : memref<624x256xbf16, #tpu.memory_space<hbm>>)
      tpu.yield
    }) : () -> ()
    %eq3A_73 = arith.constant 15 : i32
    %eq3A_74 = arith.cmpi eq, %arg1, %eq3A_73 : i32
    %convert_element_type3A_75 = arith.extui %eq3A_74 : i1 to i32
    %cond3A_76 = arith.constant 0 : i32
    %cond3A_77 = arith.cmpi ne, %convert_element_type3A_75, %cond3A_76 : i32
    scf.if %cond3A_77 {
      %mul3A_78 = arith.constant 10000 : i32
      %mul3A_79 = arith.muli %arg0, %mul3A_78 : i32
      %add3A_80 = arith.constant 9984 : i32
      %add3A_81 = arith.addi %mul3A_79, %add3A_80 : i32
      "tpu.region"() ({
        %run_scoped3A = tpu.sem_alloc : memref<!tpu.dma_semaphore, #tpu.memory_space<semaphore_mem>>
        %dma_start3A_82 = arith.constant 0 : i32
        %dma_start3A_83 = tpu.memref_slice %arg6[%add3A_81, %dma_start3A_82] : memref<20000x256xbf16, #tpu.memory_space<hbm>> -> memref<16x256xbf16, #tpu.memory_space<hbm>>
        %dma_start3A_84 = arith.constant 9984 : i32
        %dma_start3A_85 = arith.constant 0 : i32
        %dma_start3A_86 = tpu.memref_slice %arg10[%dma_start3A_84, %dma_start3A_85] : memref<10008x256xbf16, #tpu.memory_space<vmem_shared>> -> memref<16x256xbf16, #tpu.memory_space<vmem_shared>>
        tpu.enqueue_dma source(%dma_start3A_86 : memref<16x256xbf16, #tpu.memory_space<vmem_shared>>) target(%dma_start3A_83 : memref<16x256xbf16, #tpu.memory_space<hbm>>) target_semaphore(%run_scoped3A : memref<!tpu.dma_semaphore, #tpu.memory_space<semaphore_mem>>)
        %dma_wait3A = arith.constant 0 : i32
        %dma_wait3A_87 = tpu.memref_slice %arg6[%add3A_81, %dma_wait3A] : memref<20000x256xbf16, #tpu.memory_space<hbm>> -> memref<16x256xbf16, #tpu.memory_space<hbm>>
        %dma_wait3A_88 = arith.constant 9984 : i32
        %dma_wait3A_89 = arith.constant 0 : i32
        %dma_wait3A_90 = tpu.memref_slice %arg10[%dma_wait3A_88, %dma_wait3A_89] : memref<10008x256xbf16, #tpu.memory_space<vmem_shared>> -> memref<16x256xbf16, #tpu.memory_space<vmem_shared>>
        tpu.wait_dma2 semaphore(%run_scoped3A : memref<!tpu.dma_semaphore, #tpu.memory_space<semaphore_mem>>) src(%dma_wait3A_90 : memref<16x256xbf16, #tpu.memory_space<vmem_shared>>) dst(%dma_wait3A_87 : memref<16x256xbf16, #tpu.memory_space<hbm>>)
        tpu.yield
      }) : () -> ()
    } else {
    }
    return
  }
}

#map = affine_map<(d0, d1) -> (0, 0)>
module attributes {stable_mosaic.version = 14 : i64} {
  func.func @_sc_scatter_body(%arg0: i32, %arg1: i32, %arg2: memref<10000x256xbf16, #tpu.memory_space<hbm>>, %arg3: memref<10000x256xbf16, #tpu.memory_space<hbm>>, %arg4: memref<1280x128xi32, #tpu.memory_space<hbm>>, %arg5: memref<1280x128xi32, #tpu.memory_space<hbm>>, %arg6: memref<20000x256xbf16, #tpu.memory_space<hbm>>, %arg7: memref<60x128xi32, #tpu.memory_space<vmem>>, %arg8: memref<60x128xi32, #tpu.memory_space<vmem>>, %arg9: memref<2x128x256xbf16, #tpu.memory_space<vmem>>, %arg10: memref<10008x256xbf16, #tpu.memory_space<vmem_shared>>, %arg11: memref<!tpu.dma_semaphore, #tpu.memory_space<semaphore_mem>>, %arg12: memref<!tpu.dma_semaphore, #tpu.memory_space<semaphore_mem>>) attributes {dimension_semantics = [#tpu.dimension_semantics<core_parallel>, #tpu.dimension_semantics<subcore_parallel>], iteration_bounds = array<i64: 2, 16>, scalar_prefetch = 0 : i64, scratch_operands = 6 : i64, tpu.core_type = #tpu.core_type<sc_vector_subcore>, window_params = [{transform_indices = #map}, {transform_indices = #map}, {transform_indices = #map}, {transform_indices = #map}, {transform_indices = #map}]} {
    %mul3A = arith.constant 624 : i32
    %mul3A_0 = arith.muli %arg1, %mul3A : i32
    %eq3A = arith.constant 0 : i32
    %eq3A_1 = arith.cmpi eq, %arg0, %eq3A : i32
    %convert_element_type3A = arith.extui %eq3A_1 : i1 to i32
    %cond3A = arith.constant 0 : i32
    %cond3A_2 = arith.cmpi ne, %convert_element_type3A, %cond3A : i32
    scf.if %cond3A_2 {
      "tpu.region"() ({
        %run_scoped3A = tpu.sem_alloc : memref<!tpu.dma_semaphore, #tpu.memory_space<semaphore_mem>>
        %dma_start3A_83 = arith.constant 0 : i32
        %dma_start3A_84 = tpu.memref_slice %arg10[%mul3A_0, %dma_start3A_83] : memref<10008x256xbf16, #tpu.memory_space<vmem_shared>> -> memref<624x256xbf16, #tpu.memory_space<vmem_shared>>
        %dma_start3A_85 = arith.constant 0 : i32
        %dma_start3A_86 = tpu.memref_slice %arg2[%mul3A_0, %dma_start3A_85] : memref<10000x256xbf16, #tpu.memory_space<hbm>> -> memref<624x256xbf16, #tpu.memory_space<hbm>>
        tpu.enqueue_dma source(%dma_start3A_86 : memref<624x256xbf16, #tpu.memory_space<hbm>>) target(%dma_start3A_84 : memref<624x256xbf16, #tpu.memory_space<vmem_shared>>) target_semaphore(%run_scoped3A : memref<!tpu.dma_semaphore, #tpu.memory_space<semaphore_mem>>)
        %dma_wait3A = arith.constant 0 : i32
        %dma_wait3A_87 = tpu.memref_slice %arg10[%mul3A_0, %dma_wait3A] : memref<10008x256xbf16, #tpu.memory_space<vmem_shared>> -> memref<624x256xbf16, #tpu.memory_space<vmem_shared>>
        %dma_wait3A_88 = arith.constant 0 : i32
        %dma_wait3A_89 = tpu.memref_slice %arg2[%mul3A_0, %dma_wait3A_88] : memref<10000x256xbf16, #tpu.memory_space<hbm>> -> memref<624x256xbf16, #tpu.memory_space<hbm>>
        tpu.wait_dma2 semaphore(%run_scoped3A : memref<!tpu.dma_semaphore, #tpu.memory_space<semaphore_mem>>) src(%dma_wait3A_89 : memref<624x256xbf16, #tpu.memory_space<hbm>>) dst(%dma_wait3A_87 : memref<624x256xbf16, #tpu.memory_space<vmem_shared>>)
        tpu.yield
      }) : () -> ()
      %eq3A_78 = arith.constant 15 : i32
      %eq3A_79 = arith.cmpi eq, %arg1, %eq3A_78 : i32
      %convert_element_type3A_80 = arith.extui %eq3A_79 : i1 to i32
      %cond3A_81 = arith.constant 0 : i32
      %cond3A_82 = arith.cmpi ne, %convert_element_type3A_80, %cond3A_81 : i32
      scf.if %cond3A_82 {
        "tpu.region"() ({
          %run_scoped3A = tpu.sem_alloc : memref<!tpu.dma_semaphore, #tpu.memory_space<semaphore_mem>>
          %dma_start3A_83 = arith.constant 9984 : i32
          %dma_start3A_84 = arith.constant 0 : i32
          %dma_start3A_85 = tpu.memref_slice %arg10[%dma_start3A_83, %dma_start3A_84] : memref<10008x256xbf16, #tpu.memory_space<vmem_shared>> -> memref<16x256xbf16, #tpu.memory_space<vmem_shared>>
          %dma_start3A_86 = arith.constant 9984 : i32
          %dma_start3A_87 = arith.constant 0 : i32
          %dma_start3A_88 = tpu.memref_slice %arg2[%dma_start3A_86, %dma_start3A_87] : memref<10000x256xbf16, #tpu.memory_space<hbm>> -> memref<16x256xbf16, #tpu.memory_space<hbm>>
          tpu.enqueue_dma source(%dma_start3A_88 : memref<16x256xbf16, #tpu.memory_space<hbm>>) target(%dma_start3A_85 : memref<16x256xbf16, #tpu.memory_space<vmem_shared>>) target_semaphore(%run_scoped3A : memref<!tpu.dma_semaphore, #tpu.memory_space<semaphore_mem>>)
          %dma_wait3A = arith.constant 9984 : i32
          %dma_wait3A_89 = arith.constant 0 : i32
          %dma_wait3A_90 = tpu.memref_slice %arg10[%dma_wait3A, %dma_wait3A_89] : memref<10008x256xbf16, #tpu.memory_space<vmem_shared>> -> memref<16x256xbf16, #tpu.memory_space<vmem_shared>>
          %dma_wait3A_91 = arith.constant 9984 : i32
          %dma_wait3A_92 = arith.constant 0 : i32
          %dma_wait3A_93 = tpu.memref_slice %arg2[%dma_wait3A_91, %dma_wait3A_92] : memref<10000x256xbf16, #tpu.memory_space<hbm>> -> memref<16x256xbf16, #tpu.memory_space<hbm>>
          tpu.wait_dma2 semaphore(%run_scoped3A : memref<!tpu.dma_semaphore, #tpu.memory_space<semaphore_mem>>) src(%dma_wait3A_93 : memref<16x256xbf16, #tpu.memory_space<hbm>>) dst(%dma_wait3A_90 : memref<16x256xbf16, #tpu.memory_space<vmem_shared>>)
          tpu.yield
        }) : () -> ()
      } else {
      }
    } else {
    }
    %eq3A_3 = arith.constant 1 : i32
    %eq3A_4 = arith.cmpi eq, %arg0, %eq3A_3 : i32
    %convert_element_type3A_5 = arith.extui %eq3A_4 : i1 to i32
    %cond3A_6 = arith.constant 0 : i32
    %cond3A_7 = arith.cmpi ne, %convert_element_type3A_5, %cond3A_6 : i32
    scf.if %cond3A_7 {
      "tpu.region"() ({
        %run_scoped3A = tpu.sem_alloc : memref<!tpu.dma_semaphore, #tpu.memory_space<semaphore_mem>>
        %dma_start3A_83 = arith.constant 0 : i32
        %dma_start3A_84 = tpu.memref_slice %arg10[%mul3A_0, %dma_start3A_83] : memref<10008x256xbf16, #tpu.memory_space<vmem_shared>> -> memref<624x256xbf16, #tpu.memory_space<vmem_shared>>
        %dma_start3A_85 = arith.constant 0 : i32
        %dma_start3A_86 = tpu.memref_slice %arg3[%mul3A_0, %dma_start3A_85] : memref<10000x256xbf16, #tpu.memory_space<hbm>> -> memref<624x256xbf16, #tpu.memory_space<hbm>>
        tpu.enqueue_dma source(%dma_start3A_86 : memref<624x256xbf16, #tpu.memory_space<hbm>>) target(%dma_start3A_84 : memref<624x256xbf16, #tpu.memory_space<vmem_shared>>) target_semaphore(%run_scoped3A : memref<!tpu.dma_semaphore, #tpu.memory_space<semaphore_mem>>)
        %dma_wait3A = arith.constant 0 : i32
        %dma_wait3A_87 = tpu.memref_slice %arg10[%mul3A_0, %dma_wait3A] : memref<10008x256xbf16, #tpu.memory_space<vmem_shared>> -> memref<624x256xbf16, #tpu.memory_space<vmem_shared>>
        %dma_wait3A_88 = arith.constant 0 : i32
        %dma_wait3A_89 = tpu.memref_slice %arg3[%mul3A_0, %dma_wait3A_88] : memref<10000x256xbf16, #tpu.memory_space<hbm>> -> memref<624x256xbf16, #tpu.memory_space<hbm>>
        tpu.wait_dma2 semaphore(%run_scoped3A : memref<!tpu.dma_semaphore, #tpu.memory_space<semaphore_mem>>) src(%dma_wait3A_89 : memref<624x256xbf16, #tpu.memory_space<hbm>>) dst(%dma_wait3A_87 : memref<624x256xbf16, #tpu.memory_space<vmem_shared>>)
        tpu.yield
      }) : () -> ()
      %eq3A_78 = arith.constant 15 : i32
      %eq3A_79 = arith.cmpi eq, %arg1, %eq3A_78 : i32
      %convert_element_type3A_80 = arith.extui %eq3A_79 : i1 to i32
      %cond3A_81 = arith.constant 0 : i32
      %cond3A_82 = arith.cmpi ne, %convert_element_type3A_80, %cond3A_81 : i32
      scf.if %cond3A_82 {
        "tpu.region"() ({
          %run_scoped3A = tpu.sem_alloc : memref<!tpu.dma_semaphore, #tpu.memory_space<semaphore_mem>>
          %dma_start3A_83 = arith.constant 9984 : i32
          %dma_start3A_84 = arith.constant 0 : i32
          %dma_start3A_85 = tpu.memref_slice %arg10[%dma_start3A_83, %dma_start3A_84] : memref<10008x256xbf16, #tpu.memory_space<vmem_shared>> -> memref<16x256xbf16, #tpu.memory_space<vmem_shared>>
          %dma_start3A_86 = arith.constant 9984 : i32
          %dma_start3A_87 = arith.constant 0 : i32
          %dma_start3A_88 = tpu.memref_slice %arg3[%dma_start3A_86, %dma_start3A_87] : memref<10000x256xbf16, #tpu.memory_space<hbm>> -> memref<16x256xbf16, #tpu.memory_space<hbm>>
          tpu.enqueue_dma source(%dma_start3A_88 : memref<16x256xbf16, #tpu.memory_space<hbm>>) target(%dma_start3A_85 : memref<16x256xbf16, #tpu.memory_space<vmem_shared>>) target_semaphore(%run_scoped3A : memref<!tpu.dma_semaphore, #tpu.memory_space<semaphore_mem>>)
          %dma_wait3A = arith.constant 9984 : i32
          %dma_wait3A_89 = arith.constant 0 : i32
          %dma_wait3A_90 = tpu.memref_slice %arg10[%dma_wait3A, %dma_wait3A_89] : memref<10008x256xbf16, #tpu.memory_space<vmem_shared>> -> memref<16x256xbf16, #tpu.memory_space<vmem_shared>>
          %dma_wait3A_91 = arith.constant 9984 : i32
          %dma_wait3A_92 = arith.constant 0 : i32
          %dma_wait3A_93 = tpu.memref_slice %arg3[%dma_wait3A_91, %dma_wait3A_92] : memref<10000x256xbf16, #tpu.memory_space<hbm>> -> memref<16x256xbf16, #tpu.memory_space<hbm>>
          tpu.wait_dma2 semaphore(%run_scoped3A : memref<!tpu.dma_semaphore, #tpu.memory_space<semaphore_mem>>) src(%dma_wait3A_93 : memref<16x256xbf16, #tpu.memory_space<hbm>>) dst(%dma_wait3A_90 : memref<16x256xbf16, #tpu.memory_space<vmem_shared>>)
          tpu.yield
        }) : () -> ()
      } else {
      }
    } else {
    }
    %eq3A_8 = arith.constant 0 : i32
    %eq3A_9 = arith.cmpi eq, %arg0, %eq3A_8 : i32
    %jit3A = arith.constant 20 : i32
    %jit3A_10 = arith.constant 60 : i32
    %select_n3A = arith.select %eq3A_9, %jit3A, %jit3A_10 : i32
    %eq3A_11 = arith.constant 0 : i32
    %eq3A_12 = arith.cmpi eq, %arg0, %eq3A_11 : i32
    %mul3A_13 = arith.constant 20 : i32
    %mul3A_14 = arith.muli %arg1, %mul3A_13 : i32
    %mul3A_15 = arith.constant 60 : i32
    %mul3A_16 = arith.muli %arg1, %mul3A_15 : i32
    %add3A = arith.constant 320 : i32
    %add3A_17 = arith.addi %add3A, %mul3A_16 : i32
    %select_n3A_18 = arith.select %eq3A_12, %mul3A_14, %add3A_17 : i32
    "tpu.region"() ({
      %run_scoped3A = tpu.sem_alloc : memref<!tpu.dma_semaphore, #tpu.memory_space<semaphore_mem>>
      %dma_start3A_78 = arith.constant 0 : i32
      %dma_start3A_79 = tpu.memref_slice %arg4[%select_n3A_18, %dma_start3A_78] : memref<1280x128xi32, #tpu.memory_space<hbm>> -> memref<60x128xi32, #tpu.memory_space<hbm>>
      %dma_start3A_80 = arith.constant 0 : i32
      %dma_start3A_81 = tpu.memref_slice %arg4[%select_n3A_18, %dma_start3A_80] : memref<1280x128xi32, #tpu.memory_space<hbm>> -> memref<60x128xi32, #tpu.memory_space<hbm>>
      tpu.enqueue_dma source(%dma_start3A_81 : memref<60x128xi32, #tpu.memory_space<hbm>>) target(%arg7 : memref<60x128xi32, #tpu.memory_space<vmem>>) target_semaphore(%run_scoped3A : memref<!tpu.dma_semaphore, #tpu.memory_space<semaphore_mem>>)
      %dma_wait3A = arith.constant 0 : i32
      %dma_wait3A_82 = tpu.memref_slice %arg4[%select_n3A_18, %dma_wait3A] : memref<1280x128xi32, #tpu.memory_space<hbm>> -> memref<60x128xi32, #tpu.memory_space<hbm>>
      %dma_wait3A_83 = arith.constant 0 : i32
      %dma_wait3A_84 = tpu.memref_slice %arg4[%select_n3A_18, %dma_wait3A_83] : memref<1280x128xi32, #tpu.memory_space<hbm>> -> memref<60x128xi32, #tpu.memory_space<hbm>>
      tpu.wait_dma2 semaphore(%run_scoped3A : memref<!tpu.dma_semaphore, #tpu.memory_space<semaphore_mem>>) src(%dma_wait3A_84 : memref<60x128xi32, #tpu.memory_space<hbm>>) dst(%arg7 : memref<60x128xi32, #tpu.memory_space<vmem>>)
      tpu.yield
    }) : () -> ()
    "tpu.region"() ({
      %run_scoped3A = tpu.sem_alloc : memref<!tpu.dma_semaphore, #tpu.memory_space<semaphore_mem>>
      %dma_start3A_78 = arith.constant 0 : i32
      %dma_start3A_79 = tpu.memref_slice %arg5[%select_n3A_18, %dma_start3A_78] : memref<1280x128xi32, #tpu.memory_space<hbm>> -> memref<60x128xi32, #tpu.memory_space<hbm>>
      %dma_start3A_80 = arith.constant 0 : i32
      %dma_start3A_81 = tpu.memref_slice %arg5[%select_n3A_18, %dma_start3A_80] : memref<1280x128xi32, #tpu.memory_space<hbm>> -> memref<60x128xi32, #tpu.memory_space<hbm>>
      tpu.enqueue_dma source(%dma_start3A_81 : memref<60x128xi32, #tpu.memory_space<hbm>>) target(%arg8 : memref<60x128xi32, #tpu.memory_space<vmem>>) target_semaphore(%run_scoped3A : memref<!tpu.dma_semaphore, #tpu.memory_space<semaphore_mem>>)
      %dma_wait3A = arith.constant 0 : i32
      %dma_wait3A_82 = tpu.memref_slice %arg5[%select_n3A_18, %dma_wait3A] : memref<1280x128xi32, #tpu.memory_space<hbm>> -> memref<60x128xi32, #tpu.memory_space<hbm>>
      %dma_wait3A_83 = arith.constant 0 : i32
      %dma_wait3A_84 = tpu.memref_slice %arg5[%select_n3A_18, %dma_wait3A_83] : memref<1280x128xi32, #tpu.memory_space<hbm>> -> memref<60x128xi32, #tpu.memory_space<hbm>>
      tpu.wait_dma2 semaphore(%run_scoped3A : memref<!tpu.dma_semaphore, #tpu.memory_space<semaphore_mem>>) src(%dma_wait3A_84 : memref<60x128xi32, #tpu.memory_space<hbm>>) dst(%arg8 : memref<60x128xi32, #tpu.memory_space<vmem>>)
      tpu.yield
    }) : () -> ()
    %barrier3A = arith.constant 0 : index
    tpu.barrier barrier_id(%barrier3A)
    %dma_start3A = arith.constant 0 : i32
    %dma_start3A_19 = arith.constant 0 : i32
    %dma_start3A_20 = arith.constant 0 : i32
    %dma_start3A_21 = arith.constant 0 : i32
    %dma_start3A_22 = tpu.memref_slice %arg9[%dma_start3A_19, %dma_start3A_20, %dma_start3A_21] : memref<2x128x256xbf16, #tpu.memory_space<vmem>> -> memref<1x128x256xbf16, #tpu.memory_space<vmem>>
    %dma_start3A_23 = tpu.memref_squeeze %dma_start3A_22 : memref<1x128x256xbf16, #tpu.memory_space<vmem>> -> memref<128x256xbf16, #tpu.memory_space<vmem>>
    %dma_start3A_24 = arith.constant 0 : i32
    %dma_start3A_25 = tpu.memref_slice %arg7[%dma_start3A, %dma_start3A_24] : memref<60x128xi32, #tpu.memory_space<vmem>> -> memref<1x128xi32, #tpu.memory_space<vmem>>
    %dma_start3A_26 = tpu.memref_squeeze %dma_start3A_25 : memref<1x128xi32, #tpu.memory_space<vmem>> -> memref<128xi32, #tpu.memory_space<vmem>>
    %dma_start3A_27 = arith.constant 0 : i32
    %dma_start3A_28 = arith.constant 0 : i32
    %dma_start3A_29 = tpu.memref_slice %arg2[%dma_start3A_27, %dma_start3A_28] : memref<10000x256xbf16, #tpu.memory_space<hbm>> -> memref<10000x256xbf16, #tpu.memory_space<hbm>>
    tpu.enqueue_indirect_dma source(%dma_start3A_29 : memref<10000x256xbf16, #tpu.memory_space<hbm>>) target(%dma_start3A_23 : memref<128x256xbf16, #tpu.memory_space<vmem>>) offsets(%dma_start3A_26 : memref<128xi32, #tpu.memory_space<vmem>>) semaphore(%arg11 : memref<!tpu.dma_semaphore, #tpu.memory_space<semaphore_mem>>)
    %dma_start3A_30 = arith.constant 1 : i32
    %dma_start3A_31 = arith.constant 1 : i32
    %dma_start3A_32 = arith.constant 0 : i32
    %dma_start3A_33 = arith.constant 0 : i32
    %dma_start3A_34 = tpu.memref_slice %arg9[%dma_start3A_31, %dma_start3A_32, %dma_start3A_33] : memref<2x128x256xbf16, #tpu.memory_space<vmem>> -> memref<1x128x256xbf16, #tpu.memory_space<vmem>>
    %dma_start3A_35 = tpu.memref_squeeze %dma_start3A_34 : memref<1x128x256xbf16, #tpu.memory_space<vmem>> -> memref<128x256xbf16, #tpu.memory_space<vmem>>
    %dma_start3A_36 = arith.constant 0 : i32
    %dma_start3A_37 = tpu.memref_slice %arg7[%dma_start3A_30, %dma_start3A_36] : memref<60x128xi32, #tpu.memory_space<vmem>> -> memref<1x128xi32, #tpu.memory_space<vmem>>
    %dma_start3A_38 = tpu.memref_squeeze %dma_start3A_37 : memref<1x128xi32, #tpu.memory_space<vmem>> -> memref<128xi32, #tpu.memory_space<vmem>>
    %dma_start3A_39 = arith.constant 0 : i32
    %dma_start3A_40 = arith.constant 0 : i32
    %dma_start3A_41 = tpu.memref_slice %arg2[%dma_start3A_39, %dma_start3A_40] : memref<10000x256xbf16, #tpu.memory_space<hbm>> -> memref<10000x256xbf16, #tpu.memory_space<hbm>>
    tpu.enqueue_indirect_dma source(%dma_start3A_41 : memref<10000x256xbf16, #tpu.memory_space<hbm>>) target(%dma_start3A_35 : memref<128x256xbf16, #tpu.memory_space<vmem>>) offsets(%dma_start3A_38 : memref<128xi32, #tpu.memory_space<vmem>>) semaphore(%arg12 : memref<!tpu.dma_semaphore, #tpu.memory_space<semaphore_mem>>)
    %jit3A_42 = arith.constant 2 : i32
    %div3A = arith.divsi %select_n3A, %jit3A_42 : i32
    %sign3A = arith.constant 0 : i32
    %sign3A_43 = arith.cmpi sgt, %select_n3A, %sign3A : i32
    %sign3A_44 = arith.extui %sign3A_43 : i1 to i32
    %sign3A_45 = arith.constant 0 : i32
    %sign3A_46 = arith.cmpi slt, %select_n3A, %sign3A_45 : i32
    %sign3A_47 = arith.extui %sign3A_46 : i1 to i32
    %sign3A_48 = arith.subi %sign3A_44, %sign3A_47 : i32
    %sign3A_49 = arith.constant 0 : i32
    %sign3A_50 = arith.cmpi sgt, %jit3A_42, %sign3A_49 : i32
    %sign3A_51 = arith.extui %sign3A_50 : i1 to i32
    %sign3A_52 = arith.constant 0 : i32
    %sign3A_53 = arith.cmpi slt, %jit3A_42, %sign3A_52 : i32
    %sign3A_54 = arith.extui %sign3A_53 : i1 to i32
    %sign3A_55 = arith.subi %sign3A_51, %sign3A_54 : i32
    %ne3A = arith.cmpi ne, %sign3A_48, %sign3A_55 : i32
    %rem3A = arith.remsi %select_n3A, %jit3A_42 : i32
    %ne3A_56 = arith.constant 0 : i32
    %ne3A_57 = arith.cmpi ne, %rem3A, %ne3A_56 : i32
    %and3A = arith.andi %ne3A, %ne3A_57 : i1
    %sub3A = arith.constant 1 : i32
    %sub3A_58 = arith.subi %div3A, %sub3A : i32
    %select_n3A_59 = arith.select %and3A, %sub3A_58, %div3A : i32
    %while3A = arith.constant 0 : i32
    %while3A_60 = arith.constant 0 : i32
    %while3A_61 = arith.subi %select_n3A_59, %while3A_60 : i32
    %while3A_62 = arith.addi %while3A_60, %while3A_61 : i32
    %while3A_63 = arith.constant 1 : i32
    %while3A_64 = arith.divsi %while3A_61, %while3A_63 : i32
    %while3A_65 = arith.muli %while3A_64, %while3A_63 : i32
    %while3A_66 = arith.addi %while3A_60, %while3A_65 : i32
    %while3A_67 = arith.constant 1 : i32
    scf.for %while3A_78 = %while3A_60 to %while3A_66 step %while3A_67  : i32 {
      %mul3A_79 = arith.constant 2 : i32
      %mul3A_80 = arith.muli %while3A_78, %mul3A_79 : i32
      %add3A_81 = arith.constant 0 : i32
      %add3A_82 = arith.addi %mul3A_80, %add3A_81 : i32
      %dma_wait3A = arith.constant 0 : i32
      %dma_wait3A_83 = arith.constant 0 : i32
      %dma_wait3A_84 = arith.constant 0 : i32
      %dma_wait3A_85 = arith.constant 0 : i32
      %dma_wait3A_86 = tpu.memref_slice %arg9[%dma_wait3A_83, %dma_wait3A_84, %dma_wait3A_85] : memref<2x128x256xbf16, #tpu.memory_space<vmem>> -> memref<1x128x256xbf16, #tpu.memory_space<vmem>>
      %dma_wait3A_87 = tpu.memref_squeeze %dma_wait3A_86 : memref<1x128x256xbf16, #tpu.memory_space<vmem>> -> memref<128x256xbf16, #tpu.memory_space<vmem>>
      %dma_wait3A_88 = arith.constant 0 : i32
      %dma_wait3A_89 = tpu.memref_slice %arg7[%dma_wait3A, %dma_wait3A_88] : memref<60x128xi32, #tpu.memory_space<vmem>> -> memref<1x128xi32, #tpu.memory_space<vmem>>
      %dma_wait3A_90 = tpu.memref_squeeze %dma_wait3A_89 : memref<1x128xi32, #tpu.memory_space<vmem>> -> memref<128xi32, #tpu.memory_space<vmem>>
      %dma_wait3A_91 = arith.constant 0 : i32
      %dma_wait3A_92 = arith.constant 0 : i32
      %dma_wait3A_93 = tpu.memref_slice %arg2[%dma_wait3A_91, %dma_wait3A_92] : memref<10000x256xbf16, #tpu.memory_space<hbm>> -> memref<10000x256xbf16, #tpu.memory_space<hbm>>
      tpu.wait_indirect_dma semaphore(%arg11 : memref<!tpu.dma_semaphore, #tpu.memory_space<semaphore_mem>>) src(%dma_wait3A_93 : memref<10000x256xbf16, #tpu.memory_space<hbm>>) dst(%dma_wait3A_87 : memref<128x256xbf16, #tpu.memory_space<vmem>>)
      %run_scoped3A = arith.constant 0 : i32
      "tpu.region"() ({
        %run_scoped3A_122 = tpu.sem_alloc : memref<!tpu.dma_semaphore, #tpu.memory_space<semaphore_mem>>
        %dma_start3A_123 = arith.constant 0 : i32
        %dma_start3A_124 = arith.constant 0 : i32
        %dma_start3A_125 = tpu.memref_slice %arg9[%run_scoped3A, %dma_start3A_123, %dma_start3A_124] : memref<2x128x256xbf16, #tpu.memory_space<vmem>> -> memref<1x128x256xbf16, #tpu.memory_space<vmem>>
        %dma_start3A_126 = tpu.memref_squeeze %dma_start3A_125 : memref<1x128x256xbf16, #tpu.memory_space<vmem>> -> memref<128x256xbf16, #tpu.memory_space<vmem>>
        %dma_start3A_127 = arith.constant 0 : i32
        %dma_start3A_128 = tpu.memref_slice %arg8[%add3A_82, %dma_start3A_127] : memref<60x128xi32, #tpu.memory_space<vmem>> -> memref<1x128xi32, #tpu.memory_space<vmem>>
        %dma_start3A_129 = tpu.memref_squeeze %dma_start3A_128 : memref<1x128xi32, #tpu.memory_space<vmem>> -> memref<128xi32, #tpu.memory_space<vmem>>
        %dma_start3A_130 = arith.constant 0 : i32
        %dma_start3A_131 = arith.constant 0 : i32
        %dma_start3A_132 = tpu.memref_slice %arg10[%dma_start3A_130, %dma_start3A_131] : memref<10008x256xbf16, #tpu.memory_space<vmem_shared>> -> memref<10008x256xbf16, #tpu.memory_space<vmem_shared>>
        tpu.enqueue_indirect_dma source(%dma_start3A_126 : memref<128x256xbf16, #tpu.memory_space<vmem>>) target(%dma_start3A_132 : memref<10008x256xbf16, #tpu.memory_space<vmem_shared>>) offsets(%dma_start3A_129 : memref<128xi32, #tpu.memory_space<vmem>>) semaphore(%run_scoped3A_122 : memref<!tpu.dma_semaphore, #tpu.memory_space<semaphore_mem>>) {add = true}
        %dma_wait3A_133 = arith.constant 0 : i32
        %dma_wait3A_134 = arith.constant 0 : i32
        %dma_wait3A_135 = tpu.memref_slice %arg9[%run_scoped3A, %dma_wait3A_133, %dma_wait3A_134] : memref<2x128x256xbf16, #tpu.memory_space<vmem>> -> memref<1x128x256xbf16, #tpu.memory_space<vmem>>
        %dma_wait3A_136 = tpu.memref_squeeze %dma_wait3A_135 : memref<1x128x256xbf16, #tpu.memory_space<vmem>> -> memref<128x256xbf16, #tpu.memory_space<vmem>>
        %dma_wait3A_137 = arith.constant 0 : i32
        %dma_wait3A_138 = tpu.memref_slice %arg8[%add3A_82, %dma_wait3A_137] : memref<60x128xi32, #tpu.memory_space<vmem>> -> memref<1x128xi32, #tpu.memory_space<vmem>>
        %dma_wait3A_139 = tpu.memref_squeeze %dma_wait3A_138 : memref<1x128xi32, #tpu.memory_space<vmem>> -> memref<128xi32, #tpu.memory_space<vmem>>
        %dma_wait3A_140 = arith.constant 0 : i32
        %dma_wait3A_141 = arith.constant 0 : i32
        %dma_wait3A_142 = tpu.memref_slice %arg10[%dma_wait3A_140, %dma_wait3A_141] : memref<10008x256xbf16, #tpu.memory_space<vmem_shared>> -> memref<10008x256xbf16, #tpu.memory_space<vmem_shared>>
        tpu.wait_indirect_dma semaphore(%run_scoped3A_122 : memref<!tpu.dma_semaphore, #tpu.memory_space<semaphore_mem>>) src(%dma_wait3A_136 : memref<128x256xbf16, #tpu.memory_space<vmem>>) dst(%dma_wait3A_142 : memref<10008x256xbf16, #tpu.memory_space<vmem_shared>>)
        tpu.yield
      }) : () -> ()
      %add3A_94 = arith.constant 2 : i32
      %add3A_95 = arith.addi %add3A_82, %add3A_94 : i32
      %lt3A = arith.cmpi slt, %add3A_95, %select_n3A : i32
      %convert_element_type3A_96 = arith.extui %lt3A : i1 to i32
      %cond3A_97 = arith.constant 0 : i32
      %cond3A_98 = arith.cmpi ne, %convert_element_type3A_96, %cond3A_97 : i32
      scf.if %cond3A_98 {
        %add3A_122 = arith.constant 2 : i32
        %add3A_123 = arith.addi %add3A_82, %add3A_122 : i32
        %dma_start3A_124 = arith.constant 0 : i32
        %dma_start3A_125 = arith.constant 0 : i32
        %dma_start3A_126 = arith.constant 0 : i32
        %dma_start3A_127 = tpu.memref_slice %arg9[%dma_start3A_124, %dma_start3A_125, %dma_start3A_126] : memref<2x128x256xbf16, #tpu.memory_space<vmem>> -> memref<1x128x256xbf16, #tpu.memory_space<vmem>>
        %dma_start3A_128 = tpu.memref_squeeze %dma_start3A_127 : memref<1x128x256xbf16, #tpu.memory_space<vmem>> -> memref<128x256xbf16, #tpu.memory_space<vmem>>
        %dma_start3A_129 = arith.constant 0 : i32
        %dma_start3A_130 = tpu.memref_slice %arg7[%add3A_123, %dma_start3A_129] : memref<60x128xi32, #tpu.memory_space<vmem>> -> memref<1x128xi32, #tpu.memory_space<vmem>>
        %dma_start3A_131 = tpu.memref_squeeze %dma_start3A_130 : memref<1x128xi32, #tpu.memory_space<vmem>> -> memref<128xi32, #tpu.memory_space<vmem>>
        %dma_start3A_132 = arith.constant 0 : i32
        %dma_start3A_133 = arith.constant 0 : i32
        %dma_start3A_134 = tpu.memref_slice %arg2[%dma_start3A_132, %dma_start3A_133] : memref<10000x256xbf16, #tpu.memory_space<hbm>> -> memref<10000x256xbf16, #tpu.memory_space<hbm>>
        tpu.enqueue_indirect_dma source(%dma_start3A_134 : memref<10000x256xbf16, #tpu.memory_space<hbm>>) target(%dma_start3A_128 : memref<128x256xbf16, #tpu.memory_space<vmem>>) offsets(%dma_start3A_131 : memref<128xi32, #tpu.memory_space<vmem>>) semaphore(%arg11 : memref<!tpu.dma_semaphore, #tpu.memory_space<semaphore_mem>>)
      } else {
      }
      %mul3A_99 = arith.constant 2 : i32
      %mul3A_100 = arith.muli %while3A_78, %mul3A_99 : i32
      %add3A_101 = arith.constant 1 : i32
      %add3A_102 = arith.addi %mul3A_100, %add3A_101 : i32
      %dma_wait3A_103 = arith.constant 0 : i32
      %dma_wait3A_104 = arith.constant 1 : i32
      %dma_wait3A_105 = arith.constant 0 : i32
      %dma_wait3A_106 = arith.constant 0 : i32
      %dma_wait3A_107 = tpu.memref_slice %arg9[%dma_wait3A_104, %dma_wait3A_105, %dma_wait3A_106] : memref<2x128x256xbf16, #tpu.memory_space<vmem>> -> memref<1x128x256xbf16, #tpu.memory_space<vmem>>
      %dma_wait3A_108 = tpu.memref_squeeze %dma_wait3A_107 : memref<1x128x256xbf16, #tpu.memory_space<vmem>> -> memref<128x256xbf16, #tpu.memory_space<vmem>>
      %dma_wait3A_109 = arith.constant 0 : i32
      %dma_wait3A_110 = tpu.memref_slice %arg7[%dma_wait3A_103, %dma_wait3A_109] : memref<60x128xi32, #tpu.memory_space<vmem>> -> memref<1x128xi32, #tpu.memory_space<vmem>>
      %dma_wait3A_111 = tpu.memref_squeeze %dma_wait3A_110 : memref<1x128xi32, #tpu.memory_space<vmem>> -> memref<128xi32, #tpu.memory_space<vmem>>
      %dma_wait3A_112 = arith.constant 0 : i32
      %dma_wait3A_113 = arith.constant 0 : i32
      %dma_wait3A_114 = tpu.memref_slice %arg2[%dma_wait3A_112, %dma_wait3A_113] : memref<10000x256xbf16, #tpu.memory_space<hbm>> -> memref<10000x256xbf16, #tpu.memory_space<hbm>>
      tpu.wait_indirect_dma semaphore(%arg12 : memref<!tpu.dma_semaphore, #tpu.memory_space<semaphore_mem>>) src(%dma_wait3A_114 : memref<10000x256xbf16, #tpu.memory_space<hbm>>) dst(%dma_wait3A_108 : memref<128x256xbf16, #tpu.memory_space<vmem>>)
      %run_scoped3A_115 = arith.constant 1 : i32
      "tpu.region"() ({
        %run_scoped3A_122 = tpu.sem_alloc : memref<!tpu.dma_semaphore, #tpu.memory_space<semaphore_mem>>
        %dma_start3A_123 = arith.constant 0 : i32
        %dma_start3A_124 = arith.constant 0 : i32
        %dma_start3A_125 = tpu.memref_slice %arg9[%run_scoped3A_115, %dma_start3A_123, %dma_start3A_124] : memref<2x128x256xbf16, #tpu.memory_space<vmem>> -> memref<1x128x256xbf16, #tpu.memory_space<vmem>>
        %dma_start3A_126 = tpu.memref_squeeze %dma_start3A_125 : memref<1x128x256xbf16, #tpu.memory_space<vmem>> -> memref<128x256xbf16, #tpu.memory_space<vmem>>
        %dma_start3A_127 = arith.constant 0 : i32
        %dma_start3A_128 = tpu.memref_slice %arg8[%add3A_102, %dma_start3A_127] : memref<60x128xi32, #tpu.memory_space<vmem>> -> memref<1x128xi32, #tpu.memory_space<vmem>>
        %dma_start3A_129 = tpu.memref_squeeze %dma_start3A_128 : memref<1x128xi32, #tpu.memory_space<vmem>> -> memref<128xi32, #tpu.memory_space<vmem>>
        %dma_start3A_130 = arith.constant 0 : i32
        %dma_start3A_131 = arith.constant 0 : i32
        %dma_start3A_132 = tpu.memref_slice %arg10[%dma_start3A_130, %dma_start3A_131] : memref<10008x256xbf16, #tpu.memory_space<vmem_shared>> -> memref<10008x256xbf16, #tpu.memory_space<vmem_shared>>
        tpu.enqueue_indirect_dma source(%dma_start3A_126 : memref<128x256xbf16, #tpu.memory_space<vmem>>) target(%dma_start3A_132 : memref<10008x256xbf16, #tpu.memory_space<vmem_shared>>) offsets(%dma_start3A_129 : memref<128xi32, #tpu.memory_space<vmem>>) semaphore(%run_scoped3A_122 : memref<!tpu.dma_semaphore, #tpu.memory_space<semaphore_mem>>) {add = true}
        %dma_wait3A_133 = arith.constant 0 : i32
        %dma_wait3A_134 = arith.constant 0 : i32
        %dma_wait3A_135 = tpu.memref_slice %arg9[%run_scoped3A_115, %dma_wait3A_133, %dma_wait3A_134] : memref<2x128x256xbf16, #tpu.memory_space<vmem>> -> memref<1x128x256xbf16, #tpu.memory_space<vmem>>
        %dma_wait3A_136 = tpu.memref_squeeze %dma_wait3A_135 : memref<1x128x256xbf16, #tpu.memory_space<vmem>> -> memref<128x256xbf16, #tpu.memory_space<vmem>>
        %dma_wait3A_137 = arith.constant 0 : i32
        %dma_wait3A_138 = tpu.memref_slice %arg8[%add3A_102, %dma_wait3A_137] : memref<60x128xi32, #tpu.memory_space<vmem>> -> memref<1x128xi32, #tpu.memory_space<vmem>>
        %dma_wait3A_139 = tpu.memref_squeeze %dma_wait3A_138 : memref<1x128xi32, #tpu.memory_space<vmem>> -> memref<128xi32, #tpu.memory_space<vmem>>
        %dma_wait3A_140 = arith.constant 0 : i32
        %dma_wait3A_141 = arith.constant 0 : i32
        %dma_wait3A_142 = tpu.memref_slice %arg10[%dma_wait3A_140, %dma_wait3A_141] : memref<10008x256xbf16, #tpu.memory_space<vmem_shared>> -> memref<10008x256xbf16, #tpu.memory_space<vmem_shared>>
        tpu.wait_indirect_dma semaphore(%run_scoped3A_122 : memref<!tpu.dma_semaphore, #tpu.memory_space<semaphore_mem>>) src(%dma_wait3A_136 : memref<128x256xbf16, #tpu.memory_space<vmem>>) dst(%dma_wait3A_142 : memref<10008x256xbf16, #tpu.memory_space<vmem_shared>>)
        tpu.yield
      }) : () -> ()
      %add3A_116 = arith.constant 2 : i32
      %add3A_117 = arith.addi %add3A_102, %add3A_116 : i32
      %lt3A_118 = arith.cmpi slt, %add3A_117, %select_n3A : i32
      %convert_element_type3A_119 = arith.extui %lt3A_118 : i1 to i32
      %cond3A_120 = arith.constant 0 : i32
      %cond3A_121 = arith.cmpi ne, %convert_element_type3A_119, %cond3A_120 : i32
      scf.if %cond3A_121 {
        %add3A_122 = arith.constant 2 : i32
        %add3A_123 = arith.addi %add3A_102, %add3A_122 : i32
        %dma_start3A_124 = arith.constant 1 : i32
        %dma_start3A_125 = arith.constant 0 : i32
        %dma_start3A_126 = arith.constant 0 : i32
        %dma_start3A_127 = tpu.memref_slice %arg9[%dma_start3A_124, %dma_start3A_125, %dma_start3A_126] : memref<2x128x256xbf16, #tpu.memory_space<vmem>> -> memref<1x128x256xbf16, #tpu.memory_space<vmem>>
        %dma_start3A_128 = tpu.memref_squeeze %dma_start3A_127 : memref<1x128x256xbf16, #tpu.memory_space<vmem>> -> memref<128x256xbf16, #tpu.memory_space<vmem>>
        %dma_start3A_129 = arith.constant 0 : i32
        %dma_start3A_130 = tpu.memref_slice %arg7[%add3A_123, %dma_start3A_129] : memref<60x128xi32, #tpu.memory_space<vmem>> -> memref<1x128xi32, #tpu.memory_space<vmem>>
        %dma_start3A_131 = tpu.memref_squeeze %dma_start3A_130 : memref<1x128xi32, #tpu.memory_space<vmem>> -> memref<128xi32, #tpu.memory_space<vmem>>
        %dma_start3A_132 = arith.constant 0 : i32
        %dma_start3A_133 = arith.constant 0 : i32
        %dma_start3A_134 = tpu.memref_slice %arg2[%dma_start3A_132, %dma_start3A_133] : memref<10000x256xbf16, #tpu.memory_space<hbm>> -> memref<10000x256xbf16, #tpu.memory_space<hbm>>
        tpu.enqueue_indirect_dma source(%dma_start3A_134 : memref<10000x256xbf16, #tpu.memory_space<hbm>>) target(%dma_start3A_128 : memref<128x256xbf16, #tpu.memory_space<vmem>>) offsets(%dma_start3A_131 : memref<128xi32, #tpu.memory_space<vmem>>) semaphore(%arg12 : memref<!tpu.dma_semaphore, #tpu.memory_space<semaphore_mem>>)
      } else {
      }
    }
    %while3A_68 = arith.constant 1 : i32
    scf.for %while3A_78 = %while3A_66 to %while3A_62 step %while3A_68  : i32 {
      %mul3A_79 = arith.constant 2 : i32
      %mul3A_80 = arith.muli %while3A_78, %mul3A_79 : i32
      %add3A_81 = arith.constant 0 : i32
      %add3A_82 = arith.addi %mul3A_80, %add3A_81 : i32
      %dma_wait3A = arith.constant 0 : i32
      %dma_wait3A_83 = arith.constant 0 : i32
      %dma_wait3A_84 = arith.constant 0 : i32
      %dma_wait3A_85 = arith.constant 0 : i32
      %dma_wait3A_86 = tpu.memref_slice %arg9[%dma_wait3A_83, %dma_wait3A_84, %dma_wait3A_85] : memref<2x128x256xbf16, #tpu.memory_space<vmem>> -> memref<1x128x256xbf16, #tpu.memory_space<vmem>>
      %dma_wait3A_87 = tpu.memref_squeeze %dma_wait3A_86 : memref<1x128x256xbf16, #tpu.memory_space<vmem>> -> memref<128x256xbf16, #tpu.memory_space<vmem>>
      %dma_wait3A_88 = arith.constant 0 : i32
      %dma_wait3A_89 = tpu.memref_slice %arg7[%dma_wait3A, %dma_wait3A_88] : memref<60x128xi32, #tpu.memory_space<vmem>> -> memref<1x128xi32, #tpu.memory_space<vmem>>
      %dma_wait3A_90 = tpu.memref_squeeze %dma_wait3A_89 : memref<1x128xi32, #tpu.memory_space<vmem>> -> memref<128xi32, #tpu.memory_space<vmem>>
      %dma_wait3A_91 = arith.constant 0 : i32
      %dma_wait3A_92 = arith.constant 0 : i32
      %dma_wait3A_93 = tpu.memref_slice %arg2[%dma_wait3A_91, %dma_wait3A_92] : memref<10000x256xbf16, #tpu.memory_space<hbm>> -> memref<10000x256xbf16, #tpu.memory_space<hbm>>
      tpu.wait_indirect_dma semaphore(%arg11 : memref<!tpu.dma_semaphore, #tpu.memory_space<semaphore_mem>>) src(%dma_wait3A_93 : memref<10000x256xbf16, #tpu.memory_space<hbm>>) dst(%dma_wait3A_87 : memref<128x256xbf16, #tpu.memory_space<vmem>>)
      %run_scoped3A = arith.constant 0 : i32
      "tpu.region"() ({
        %run_scoped3A_122 = tpu.sem_alloc : memref<!tpu.dma_semaphore, #tpu.memory_space<semaphore_mem>>
        %dma_start3A_123 = arith.constant 0 : i32
        %dma_start3A_124 = arith.constant 0 : i32
        %dma_start3A_125 = tpu.memref_slice %arg9[%run_scoped3A, %dma_start3A_123, %dma_start3A_124] : memref<2x128x256xbf16, #tpu.memory_space<vmem>> -> memref<1x128x256xbf16, #tpu.memory_space<vmem>>
        %dma_start3A_126 = tpu.memref_squeeze %dma_start3A_125 : memref<1x128x256xbf16, #tpu.memory_space<vmem>> -> memref<128x256xbf16, #tpu.memory_space<vmem>>
        %dma_start3A_127 = arith.constant 0 : i32
        %dma_start3A_128 = tpu.memref_slice %arg8[%add3A_82, %dma_start3A_127] : memref<60x128xi32, #tpu.memory_space<vmem>> -> memref<1x128xi32, #tpu.memory_space<vmem>>
        %dma_start3A_129 = tpu.memref_squeeze %dma_start3A_128 : memref<1x128xi32, #tpu.memory_space<vmem>> -> memref<128xi32, #tpu.memory_space<vmem>>
        %dma_start3A_130 = arith.constant 0 : i32
        %dma_start3A_131 = arith.constant 0 : i32
        %dma_start3A_132 = tpu.memref_slice %arg10[%dma_start3A_130, %dma_start3A_131] : memref<10008x256xbf16, #tpu.memory_space<vmem_shared>> -> memref<10008x256xbf16, #tpu.memory_space<vmem_shared>>
        tpu.enqueue_indirect_dma source(%dma_start3A_126 : memref<128x256xbf16, #tpu.memory_space<vmem>>) target(%dma_start3A_132 : memref<10008x256xbf16, #tpu.memory_space<vmem_shared>>) offsets(%dma_start3A_129 : memref<128xi32, #tpu.memory_space<vmem>>) semaphore(%run_scoped3A_122 : memref<!tpu.dma_semaphore, #tpu.memory_space<semaphore_mem>>) {add = true}
        %dma_wait3A_133 = arith.constant 0 : i32
        %dma_wait3A_134 = arith.constant 0 : i32
        %dma_wait3A_135 = tpu.memref_slice %arg9[%run_scoped3A, %dma_wait3A_133, %dma_wait3A_134] : memref<2x128x256xbf16, #tpu.memory_space<vmem>> -> memref<1x128x256xbf16, #tpu.memory_space<vmem>>
        %dma_wait3A_136 = tpu.memref_squeeze %dma_wait3A_135 : memref<1x128x256xbf16, #tpu.memory_space<vmem>> -> memref<128x256xbf16, #tpu.memory_space<vmem>>
        %dma_wait3A_137 = arith.constant 0 : i32
        %dma_wait3A_138 = tpu.memref_slice %arg8[%add3A_82, %dma_wait3A_137] : memref<60x128xi32, #tpu.memory_space<vmem>> -> memref<1x128xi32, #tpu.memory_space<vmem>>
        %dma_wait3A_139 = tpu.memref_squeeze %dma_wait3A_138 : memref<1x128xi32, #tpu.memory_space<vmem>> -> memref<128xi32, #tpu.memory_space<vmem>>
        %dma_wait3A_140 = arith.constant 0 : i32
        %dma_wait3A_141 = arith.constant 0 : i32
        %dma_wait3A_142 = tpu.memref_slice %arg10[%dma_wait3A_140, %dma_wait3A_141] : memref<10008x256xbf16, #tpu.memory_space<vmem_shared>> -> memref<10008x256xbf16, #tpu.memory_space<vmem_shared>>
        tpu.wait_indirect_dma semaphore(%run_scoped3A_122 : memref<!tpu.dma_semaphore, #tpu.memory_space<semaphore_mem>>) src(%dma_wait3A_136 : memref<128x256xbf16, #tpu.memory_space<vmem>>) dst(%dma_wait3A_142 : memref<10008x256xbf16, #tpu.memory_space<vmem_shared>>)
        tpu.yield
      }) : () -> ()
      %add3A_94 = arith.constant 2 : i32
      %add3A_95 = arith.addi %add3A_82, %add3A_94 : i32
      %lt3A = arith.cmpi slt, %add3A_95, %select_n3A : i32
      %convert_element_type3A_96 = arith.extui %lt3A : i1 to i32
      %cond3A_97 = arith.constant 0 : i32
      %cond3A_98 = arith.cmpi ne, %convert_element_type3A_96, %cond3A_97 : i32
      scf.if %cond3A_98 {
        %add3A_122 = arith.constant 2 : i32
        %add3A_123 = arith.addi %add3A_82, %add3A_122 : i32
        %dma_start3A_124 = arith.constant 0 : i32
        %dma_start3A_125 = arith.constant 0 : i32
        %dma_start3A_126 = arith.constant 0 : i32
        %dma_start3A_127 = tpu.memref_slice %arg9[%dma_start3A_124, %dma_start3A_125, %dma_start3A_126] : memref<2x128x256xbf16, #tpu.memory_space<vmem>> -> memref<1x128x256xbf16, #tpu.memory_space<vmem>>
        %dma_start3A_128 = tpu.memref_squeeze %dma_start3A_127 : memref<1x128x256xbf16, #tpu.memory_space<vmem>> -> memref<128x256xbf16, #tpu.memory_space<vmem>>
        %dma_start3A_129 = arith.constant 0 : i32
        %dma_start3A_130 = tpu.memref_slice %arg7[%add3A_123, %dma_start3A_129] : memref<60x128xi32, #tpu.memory_space<vmem>> -> memref<1x128xi32, #tpu.memory_space<vmem>>
        %dma_start3A_131 = tpu.memref_squeeze %dma_start3A_130 : memref<1x128xi32, #tpu.memory_space<vmem>> -> memref<128xi32, #tpu.memory_space<vmem>>
        %dma_start3A_132 = arith.constant 0 : i32
        %dma_start3A_133 = arith.constant 0 : i32
        %dma_start3A_134 = tpu.memref_slice %arg2[%dma_start3A_132, %dma_start3A_133] : memref<10000x256xbf16, #tpu.memory_space<hbm>> -> memref<10000x256xbf16, #tpu.memory_space<hbm>>
        tpu.enqueue_indirect_dma source(%dma_start3A_134 : memref<10000x256xbf16, #tpu.memory_space<hbm>>) target(%dma_start3A_128 : memref<128x256xbf16, #tpu.memory_space<vmem>>) offsets(%dma_start3A_131 : memref<128xi32, #tpu.memory_space<vmem>>) semaphore(%arg11 : memref<!tpu.dma_semaphore, #tpu.memory_space<semaphore_mem>>)
      } else {
      }
      %mul3A_99 = arith.constant 2 : i32
      %mul3A_100 = arith.muli %while3A_78, %mul3A_99 : i32
      %add3A_101 = arith.constant 1 : i32
      %add3A_102 = arith.addi %mul3A_100, %add3A_101 : i32
      %dma_wait3A_103 = arith.constant 0 : i32
      %dma_wait3A_104 = arith.constant 1 : i32
      %dma_wait3A_105 = arith.constant 0 : i32
      %dma_wait3A_106 = arith.constant 0 : i32
      %dma_wait3A_107 = tpu.memref_slice %arg9[%dma_wait3A_104, %dma_wait3A_105, %dma_wait3A_106] : memref<2x128x256xbf16, #tpu.memory_space<vmem>> -> memref<1x128x256xbf16, #tpu.memory_space<vmem>>
      %dma_wait3A_108 = tpu.memref_squeeze %dma_wait3A_107 : memref<1x128x256xbf16, #tpu.memory_space<vmem>> -> memref<128x256xbf16, #tpu.memory_space<vmem>>
      %dma_wait3A_109 = arith.constant 0 : i32
      %dma_wait3A_110 = tpu.memref_slice %arg7[%dma_wait3A_103, %dma_wait3A_109] : memref<60x128xi32, #tpu.memory_space<vmem>> -> memref<1x128xi32, #tpu.memory_space<vmem>>
      %dma_wait3A_111 = tpu.memref_squeeze %dma_wait3A_110 : memref<1x128xi32, #tpu.memory_space<vmem>> -> memref<128xi32, #tpu.memory_space<vmem>>
      %dma_wait3A_112 = arith.constant 0 : i32
      %dma_wait3A_113 = arith.constant 0 : i32
      %dma_wait3A_114 = tpu.memref_slice %arg2[%dma_wait3A_112, %dma_wait3A_113] : memref<10000x256xbf16, #tpu.memory_space<hbm>> -> memref<10000x256xbf16, #tpu.memory_space<hbm>>
      tpu.wait_indirect_dma semaphore(%arg12 : memref<!tpu.dma_semaphore, #tpu.memory_space<semaphore_mem>>) src(%dma_wait3A_114 : memref<10000x256xbf16, #tpu.memory_space<hbm>>) dst(%dma_wait3A_108 : memref<128x256xbf16, #tpu.memory_space<vmem>>)
      %run_scoped3A_115 = arith.constant 1 : i32
      "tpu.region"() ({
        %run_scoped3A_122 = tpu.sem_alloc : memref<!tpu.dma_semaphore, #tpu.memory_space<semaphore_mem>>
        %dma_start3A_123 = arith.constant 0 : i32
        %dma_start3A_124 = arith.constant 0 : i32
        %dma_start3A_125 = tpu.memref_slice %arg9[%run_scoped3A_115, %dma_start3A_123, %dma_start3A_124] : memref<2x128x256xbf16, #tpu.memory_space<vmem>> -> memref<1x128x256xbf16, #tpu.memory_space<vmem>>
        %dma_start3A_126 = tpu.memref_squeeze %dma_start3A_125 : memref<1x128x256xbf16, #tpu.memory_space<vmem>> -> memref<128x256xbf16, #tpu.memory_space<vmem>>
        %dma_start3A_127 = arith.constant 0 : i32
        %dma_start3A_128 = tpu.memref_slice %arg8[%add3A_102, %dma_start3A_127] : memref<60x128xi32, #tpu.memory_space<vmem>> -> memref<1x128xi32, #tpu.memory_space<vmem>>
        %dma_start3A_129 = tpu.memref_squeeze %dma_start3A_128 : memref<1x128xi32, #tpu.memory_space<vmem>> -> memref<128xi32, #tpu.memory_space<vmem>>
        %dma_start3A_130 = arith.constant 0 : i32
        %dma_start3A_131 = arith.constant 0 : i32
        %dma_start3A_132 = tpu.memref_slice %arg10[%dma_start3A_130, %dma_start3A_131] : memref<10008x256xbf16, #tpu.memory_space<vmem_shared>> -> memref<10008x256xbf16, #tpu.memory_space<vmem_shared>>
        tpu.enqueue_indirect_dma source(%dma_start3A_126 : memref<128x256xbf16, #tpu.memory_space<vmem>>) target(%dma_start3A_132 : memref<10008x256xbf16, #tpu.memory_space<vmem_shared>>) offsets(%dma_start3A_129 : memref<128xi32, #tpu.memory_space<vmem>>) semaphore(%run_scoped3A_122 : memref<!tpu.dma_semaphore, #tpu.memory_space<semaphore_mem>>) {add = true}
        %dma_wait3A_133 = arith.constant 0 : i32
        %dma_wait3A_134 = arith.constant 0 : i32
        %dma_wait3A_135 = tpu.memref_slice %arg9[%run_scoped3A_115, %dma_wait3A_133, %dma_wait3A_134] : memref<2x128x256xbf16, #tpu.memory_space<vmem>> -> memref<1x128x256xbf16, #tpu.memory_space<vmem>>
        %dma_wait3A_136 = tpu.memref_squeeze %dma_wait3A_135 : memref<1x128x256xbf16, #tpu.memory_space<vmem>> -> memref<128x256xbf16, #tpu.memory_space<vmem>>
        %dma_wait3A_137 = arith.constant 0 : i32
        %dma_wait3A_138 = tpu.memref_slice %arg8[%add3A_102, %dma_wait3A_137] : memref<60x128xi32, #tpu.memory_space<vmem>> -> memref<1x128xi32, #tpu.memory_space<vmem>>
        %dma_wait3A_139 = tpu.memref_squeeze %dma_wait3A_138 : memref<1x128xi32, #tpu.memory_space<vmem>> -> memref<128xi32, #tpu.memory_space<vmem>>
        %dma_wait3A_140 = arith.constant 0 : i32
        %dma_wait3A_141 = arith.constant 0 : i32
        %dma_wait3A_142 = tpu.memref_slice %arg10[%dma_wait3A_140, %dma_wait3A_141] : memref<10008x256xbf16, #tpu.memory_space<vmem_shared>> -> memref<10008x256xbf16, #tpu.memory_space<vmem_shared>>
        tpu.wait_indirect_dma semaphore(%run_scoped3A_122 : memref<!tpu.dma_semaphore, #tpu.memory_space<semaphore_mem>>) src(%dma_wait3A_136 : memref<128x256xbf16, #tpu.memory_space<vmem>>) dst(%dma_wait3A_142 : memref<10008x256xbf16, #tpu.memory_space<vmem_shared>>)
        tpu.yield
      }) : () -> ()
      %add3A_116 = arith.constant 2 : i32
      %add3A_117 = arith.addi %add3A_102, %add3A_116 : i32
      %lt3A_118 = arith.cmpi slt, %add3A_117, %select_n3A : i32
      %convert_element_type3A_119 = arith.extui %lt3A_118 : i1 to i32
      %cond3A_120 = arith.constant 0 : i32
      %cond3A_121 = arith.cmpi ne, %convert_element_type3A_119, %cond3A_120 : i32
      scf.if %cond3A_121 {
        %add3A_122 = arith.constant 2 : i32
        %add3A_123 = arith.addi %add3A_102, %add3A_122 : i32
        %dma_start3A_124 = arith.constant 1 : i32
        %dma_start3A_125 = arith.constant 0 : i32
        %dma_start3A_126 = arith.constant 0 : i32
        %dma_start3A_127 = tpu.memref_slice %arg9[%dma_start3A_124, %dma_start3A_125, %dma_start3A_126] : memref<2x128x256xbf16, #tpu.memory_space<vmem>> -> memref<1x128x256xbf16, #tpu.memory_space<vmem>>
        %dma_start3A_128 = tpu.memref_squeeze %dma_start3A_127 : memref<1x128x256xbf16, #tpu.memory_space<vmem>> -> memref<128x256xbf16, #tpu.memory_space<vmem>>
        %dma_start3A_129 = arith.constant 0 : i32
        %dma_start3A_130 = tpu.memref_slice %arg7[%add3A_123, %dma_start3A_129] : memref<60x128xi32, #tpu.memory_space<vmem>> -> memref<1x128xi32, #tpu.memory_space<vmem>>
        %dma_start3A_131 = tpu.memref_squeeze %dma_start3A_130 : memref<1x128xi32, #tpu.memory_space<vmem>> -> memref<128xi32, #tpu.memory_space<vmem>>
        %dma_start3A_132 = arith.constant 0 : i32
        %dma_start3A_133 = arith.constant 0 : i32
        %dma_start3A_134 = tpu.memref_slice %arg2[%dma_start3A_132, %dma_start3A_133] : memref<10000x256xbf16, #tpu.memory_space<hbm>> -> memref<10000x256xbf16, #tpu.memory_space<hbm>>
        tpu.enqueue_indirect_dma source(%dma_start3A_134 : memref<10000x256xbf16, #tpu.memory_space<hbm>>) target(%dma_start3A_128 : memref<128x256xbf16, #tpu.memory_space<vmem>>) offsets(%dma_start3A_131 : memref<128xi32, #tpu.memory_space<vmem>>) semaphore(%arg12 : memref<!tpu.dma_semaphore, #tpu.memory_space<semaphore_mem>>)
      } else {
      }
    }
    %barrier3A_69 = arith.constant 0 : index
    tpu.barrier barrier_id(%barrier3A_69)
    %mul3A_70 = arith.constant 10000 : i32
    %mul3A_71 = arith.muli %arg0, %mul3A_70 : i32
    %add3A_72 = arith.addi %mul3A_71, %mul3A_0 : i32
    "tpu.region"() ({
      %run_scoped3A = tpu.sem_alloc : memref<!tpu.dma_semaphore, #tpu.memory_space<semaphore_mem>>
      %dma_start3A_78 = arith.constant 0 : i32
      %dma_start3A_79 = tpu.memref_slice %arg6[%add3A_72, %dma_start3A_78] : memref<20000x256xbf16, #tpu.memory_space<hbm>> -> memref<624x256xbf16, #tpu.memory_space<hbm>>
      %dma_start3A_80 = arith.constant 0 : i32
      %dma_start3A_81 = tpu.memref_slice %arg10[%mul3A_0, %dma_start3A_80] : memref<10008x256xbf16, #tpu.memory_space<vmem_shared>> -> memref<624x256xbf16, #tpu.memory_space<vmem_shared>>
      tpu.enqueue_dma source(%dma_start3A_81 : memref<624x256xbf16, #tpu.memory_space<vmem_shared>>) target(%dma_start3A_79 : memref<624x256xbf16, #tpu.memory_space<hbm>>) target_semaphore(%run_scoped3A : memref<!tpu.dma_semaphore, #tpu.memory_space<semaphore_mem>>)
      %dma_wait3A = arith.constant 0 : i32
      %dma_wait3A_82 = tpu.memref_slice %arg6[%add3A_72, %dma_wait3A] : memref<20000x256xbf16, #tpu.memory_space<hbm>> -> memref<624x256xbf16, #tpu.memory_space<hbm>>
      %dma_wait3A_83 = arith.constant 0 : i32
      %dma_wait3A_84 = tpu.memref_slice %arg10[%mul3A_0, %dma_wait3A_83] : memref<10008x256xbf16, #tpu.memory_space<vmem_shared>> -> memref<624x256xbf16, #tpu.memory_space<vmem_shared>>
      tpu.wait_dma2 semaphore(%run_scoped3A : memref<!tpu.dma_semaphore, #tpu.memory_space<semaphore_mem>>) src(%dma_wait3A_84 : memref<624x256xbf16, #tpu.memory_space<vmem_shared>>) dst(%dma_wait3A_82 : memref<624x256xbf16, #tpu.memory_space<hbm>>)
      tpu.yield
    }) : () -> ()
    %eq3A_73 = arith.constant 15 : i32
    %eq3A_74 = arith.cmpi eq, %arg1, %eq3A_73 : i32
    %convert_element_type3A_75 = arith.extui %eq3A_74 : i1 to i32
    %cond3A_76 = arith.constant 0 : i32
    %cond3A_77 = arith.cmpi ne, %convert_element_type3A_75, %cond3A_76 : i32
    scf.if %cond3A_77 {
      %mul3A_78 = arith.constant 10000 : i32
      %mul3A_79 = arith.muli %arg0, %mul3A_78 : i32
      %add3A_80 = arith.constant 9984 : i32
      %add3A_81 = arith.addi %mul3A_79, %add3A_80 : i32
      "tpu.region"() ({
        %run_scoped3A = tpu.sem_alloc : memref<!tpu.dma_semaphore, #tpu.memory_space<semaphore_mem>>
        %dma_start3A_82 = arith.constant 0 : i32
        %dma_start3A_83 = tpu.memref_slice %arg6[%add3A_81, %dma_start3A_82] : memref<20000x256xbf16, #tpu.memory_space<hbm>> -> memref<16x256xbf16, #tpu.memory_space<hbm>>
        %dma_start3A_84 = arith.constant 9984 : i32
        %dma_start3A_85 = arith.constant 0 : i32
        %dma_start3A_86 = tpu.memref_slice %arg10[%dma_start3A_84, %dma_start3A_85] : memref<10008x256xbf16, #tpu.memory_space<vmem_shared>> -> memref<16x256xbf16, #tpu.memory_space<vmem_shared>>
        tpu.enqueue_dma source(%dma_start3A_86 : memref<16x256xbf16, #tpu.memory_space<vmem_shared>>) target(%dma_start3A_83 : memref<16x256xbf16, #tpu.memory_space<hbm>>) target_semaphore(%run_scoped3A : memref<!tpu.dma_semaphore, #tpu.memory_space<semaphore_mem>>)
        %dma_wait3A = arith.constant 0 : i32
        %dma_wait3A_87 = tpu.memref_slice %arg6[%add3A_81, %dma_wait3A] : memref<20000x256xbf16, #tpu.memory_space<hbm>> -> memref<16x256xbf16, #tpu.memory_space<hbm>>
        %dma_wait3A_88 = arith.constant 9984 : i32
        %dma_wait3A_89 = arith.constant 0 : i32
        %dma_wait3A_90 = tpu.memref_slice %arg10[%dma_wait3A_88, %dma_wait3A_89] : memref<10008x256xbf16, #tpu.memory_space<vmem_shared>> -> memref<16x256xbf16, #tpu.memory_space<vmem_shared>>
        tpu.wait_dma2 semaphore(%run_scoped3A : memref<!tpu.dma_semaphore, #tpu.memory_space<semaphore_mem>>) src(%dma_wait3A_90 : memref<16x256xbf16, #tpu.memory_space<vmem_shared>>) dst(%dma_wait3A_87 : memref<16x256xbf16, #tpu.memory_space<hbm>>)
        tpu.yield
      }) : () -> ()
    } else {
    }
    return
  }
}

module attributes {stable_mosaic.version = 14 : i64} {
  func.func @_tc1_body(%arg0: i32, %arg1: memref<2000x1xf32, #tpu.memory_space<vmem>>, %arg2: memref<2000x256xf32, #tpu.memory_space<vmem>>, %arg3: memref<256x256xf32, #tpu.memory_space<vmem>>, %arg4: memref<2000x256xbf16, #tpu.memory_space<vmem>>) attributes {dimension_semantics = [#tpu.dimension_semantics<arbitrary>], iteration_bounds = array<i64: 5>, scalar_prefetch = 0 : i64, scratch_operands = 0 : i64, tpu.core_type = #tpu.core_type<tc>, window_params = [{transform_indices = @transform_0, window_bounds = array<i64: 2000, 1>}, {transform_indices = @transform_1, window_bounds = array<i64: 2000, 256>}, {pipeline_mode = #tpu.pipeline_mode<synchronous>, transform_indices = @transform_2, window_bounds = array<i64: 256, 256>}, {transform_indices = @transform_3, window_bounds = array<i64: 2000, 256>}]} {
    %get3A = arith.constant 0 : index
    %get3A_0 = arith.constant 0 : index
    %get3A_1 = vector.load %arg1[%get3A, %get3A_0] : memref<2000x1xf32, #tpu.memory_space<vmem>>, vector<2000x1xf32>
    %add3A = arith.constant 1.000000e+00 : f32
    %add3A_2 = vector.broadcast %add3A : f32 to vector<2000x1xf32>
    %add3A_3 = arith.addf %get3A_1, %add3A_2 : vector<2000x1xf32>
    %rsqrt3A = math.rsqrt %add3A_3 : vector<2000x1xf32>
    %get3A_4 = arith.constant 0 : index
    %get3A_5 = arith.constant 0 : index
    %get3A_6 = vector.load %arg2[%get3A_4, %get3A_5] : memref<2000x256xf32, #tpu.memory_space<vmem>>, vector<2000x256xf32>
    %get3A_7 = arith.constant 0 : index
    %get3A_8 = arith.constant 0 : index
    %get3A_9 = vector.load %arg3[%get3A_7, %get3A_8] : memref<256x256xf32, #tpu.memory_space<vmem>>, vector<256x256xf32>
    %dot_general3A = arith.constant dense<0.000000e+00> : vector<2000x256xf32>
    %dot_general3A_10 = tpu.matmul %get3A_6, %get3A_9, %dot_general3A {dimension_numbers = #tpu.dot_dimension_numbers<[1], [0], [0], [1], [0, 0, 1, 1], [], []>, transpose_lhs_hint = false} : vector<2000x256xf32>, vector<256x256xf32>, vector<2000x256xf32> -> vector<2000x256xf32>
    %mul3A = vector.broadcast %rsqrt3A : vector<2000x1xf32> to vector<2000x256xf32>
    %mul3A_11 = arith.mulf %dot_general3A_10, %mul3A : vector<2000x256xf32>
    %convert_element_type3A = arith.truncf %mul3A_11 : vector<2000x256xf32> to vector<2000x256xbf16>
    %swap3A = arith.constant 0 : index
    %swap3A_12 = arith.constant 0 : index
    %swap3A_13 = vector.load %arg4[%swap3A, %swap3A_12] : memref<2000x256xbf16, #tpu.memory_space<vmem>>, vector<2000x256xbf16>
    tpu.vector_store %arg4[%swap3A, %swap3A_12], %convert_element_type3A {strides = array<i32>} : memref<2000x256xbf16, #tpu.memory_space<vmem>>, vector<2000x256xbf16>,
    return
  }
  func.func @transform_0(%arg0: i32) -> (i32, i32) {
    %c0_i32 = arith.constant 0 : i32
    %c0_i32_0 = arith.constant 0 : i32
    return %arg0, %c0_i32 : i32, i32
  }
  func.func @transform_1(%arg0: i32) -> (i32, i32) {
    %c0_i32 = arith.constant 0 : i32
    %c0_i32_0 = arith.constant 0 : i32
    return %arg0, %c0_i32 : i32, i32
  }
  func.func @transform_2(%arg0: i32) -> (i32, i32) {
    %c0_i32 = arith.constant 0 : i32
    %c0_i32_0 = arith.constant 0 : i32
    %c0_i32_1 = arith.constant 0 : i32
    return %c0_i32, %c0_i32_0 : i32, i32
  }
  func.func @transform_3(%arg0: i32) -> (i32, i32) {
    %c0_i32 = arith.constant 0 : i32
    %c0_i32_0 = arith.constant 0 : i32
    return %arg0, %c0_i32 : i32, i32
  }
}

module attributes {stable_mosaic.version = 14 : i64} {
  func.func @_tc2_body(%arg0: i32, %arg1: memref<2000x1xf32, #tpu.memory_space<vmem>>, %arg2: memref<2x2000x256xbf16, #tpu.memory_space<vmem>>, %arg3: memref<1x256xf32, #tpu.memory_space<vmem>>, %arg4: memref<256x256xf32, #tpu.memory_space<vmem>>, %arg5: memref<2000x256xbf16, #tpu.memory_space<vmem>>) attributes {dimension_semantics = [#tpu.dimension_semantics<arbitrary>], iteration_bounds = array<i64: 5>, scalar_prefetch = 0 : i64, scratch_operands = 0 : i64, tpu.core_type = #tpu.core_type<tc>, window_params = [{transform_indices = @transform_0, window_bounds = array<i64: 2000, 1>}, {transform_indices = @transform_1, window_bounds = array<i64: 2, 2000, 256>}, {pipeline_mode = #tpu.pipeline_mode<synchronous>, transform_indices = @transform_2, window_bounds = array<i64: 1, 256>}, {pipeline_mode = #tpu.pipeline_mode<synchronous>, transform_indices = @transform_3, window_bounds = array<i64: 256, 256>}, {transform_indices = @transform_4, window_bounds = array<i64: 2000, 256>}]} {
    %get3A = arith.constant 0 : index
    %get3A_0 = arith.constant 0 : index
    %get3A_1 = vector.load %arg1[%get3A, %get3A_0] : memref<2000x1xf32, #tpu.memory_space<vmem>>, vector<2000x1xf32>
    %add3A = arith.constant 1.000000e+00 : f32
    %add3A_2 = vector.broadcast %add3A : f32 to vector<2000x1xf32>
    %add3A_3 = arith.addf %get3A_1, %add3A_2 : vector<2000x1xf32>
    %rsqrt3A = math.rsqrt %add3A_3 : vector<2000x1xf32>
    %get3A_4 = arith.constant 0 : index
    %get3A_5 = arith.constant 0 : index
    %get3A_6 = arith.constant 0 : index
    %get3A_7 = vector.load %arg2[%get3A_4, %get3A_5, %get3A_6] : memref<2x2000x256xbf16, #tpu.memory_space<vmem>>, vector<1x2000x256xbf16>
    %get3A_8 = vector.shape_cast %get3A_7 : vector<1x2000x256xbf16> to vector<2000x256xbf16>
    %convert_element_type3A = arith.extf %get3A_8 : vector<2000x256xbf16> to vector<2000x256xf32>
    %get3A_9 = arith.constant 1 : index
    %get3A_10 = arith.constant 0 : index
    %get3A_11 = arith.constant 0 : index
    %get3A_12 = vector.load %arg2[%get3A_9, %get3A_10, %get3A_11] : memref<2x2000x256xbf16, #tpu.memory_space<vmem>>, vector<1x2000x256xbf16>
    %get3A_13 = vector.shape_cast %get3A_12 : vector<1x2000x256xbf16> to vector<2000x256xbf16>
    %convert_element_type3A_14 = arith.extf %get3A_13 : vector<2000x256xbf16> to vector<2000x256xf32>
    %add3A_15 = arith.addf %convert_element_type3A, %convert_element_type3A_14 : vector<2000x256xf32>
    %mul3A = vector.broadcast %rsqrt3A : vector<2000x1xf32> to vector<2000x256xf32>
    %mul3A_16 = arith.mulf %add3A_15, %mul3A : vector<2000x256xf32>
    %get3A_17 = arith.constant 0 : index
    %get3A_18 = arith.constant 0 : index
    %get3A_19 = vector.load %arg3[%get3A_17, %get3A_18] : memref<1x256xf32, #tpu.memory_space<vmem>>, vector<1x256xf32>
    %add3A_20 = vector.broadcast %get3A_19 : vector<1x256xf32> to vector<2000x256xf32>
    %add3A_21 = arith.addf %mul3A_16, %add3A_20 : vector<2000x256xf32>
    %max3A = arith.constant 0.000000e+00 : f32
    %max3A_22 = vector.broadcast %max3A : f32 to vector<2000x256xf32>
    %max3A_23 = arith.maximumf %add3A_21, %max3A_22 : vector<2000x256xf32>
    %get3A_24 = arith.constant 0 : index
    %get3A_25 = arith.constant 0 : index
    %get3A_26 = vector.load %arg4[%get3A_24, %get3A_25] : memref<256x256xf32, #tpu.memory_space<vmem>>, vector<256x256xf32>
    %dot_general3A = arith.constant dense<0.000000e+00> : vector<2000x256xf32>
    %dot_general3A_27 = tpu.matmul %max3A_23, %get3A_26, %dot_general3A {dimension_numbers = #tpu.dot_dimension_numbers<[1], [0], [0], [1], [0, 0, 1, 1], [], []>, transpose_lhs_hint = false} : vector<2000x256xf32>, vector<256x256xf32>, vector<2000x256xf32> -> vector<2000x256xf32>
    %mul3A_28 = vector.broadcast %rsqrt3A : vector<2000x1xf32> to vector<2000x256xf32>
    %mul3A_29 = arith.mulf %dot_general3A_27, %mul3A_28 : vector<2000x256xf32>
    %convert_element_type3A_30 = arith.truncf %mul3A_29 : vector<2000x256xf32> to vector<2000x256xbf16>
    %swap3A = arith.constant 0 : index
    %swap3A_31 = arith.constant 0 : index
    %swap3A_32 = vector.load %arg5[%swap3A, %swap3A_31] : memref<2000x256xbf16, #tpu.memory_space<vmem>>, vector<2000x256xbf16>
    tpu.vector_store %arg5[%swap3A, %swap3A_31], %convert_element_type3A_30 {strides = array<i32>} : memref<2000x256xbf16, #tpu.memory_space<vmem>>, vector<2000x256xbf16>,
    return
  }
  func.func @transform_0(%arg0: i32) -> (i32, i32) {
    %c0_i32 = arith.constant 0 : i32
    %c0_i32_0 = arith.constant 0 : i32
    return %arg0, %c0_i32 : i32, i32
  }
  func.func @transform_1(%arg0: i32) -> (i32, i32, i32) {
    %c0_i32 = arith.constant 0 : i32
    %c0_i32_0 = arith.constant 0 : i32
    %c0_i32_1 = arith.constant 0 : i32
    return %c0_i32, %arg0, %c0_i32_0 : i32, i32, i32
  }
  func.func @transform_2(%arg0: i32) -> (i32, i32) {
    %c0_i32 = arith.constant 0 : i32
    %c0_i32_0 = arith.constant 0 : i32
    %c0_i32_1 = arith.constant 0 : i32
    return %c0_i32, %c0_i32_0 : i32, i32
  }
  func.func @transform_3(%arg0: i32) -> (i32, i32) {
    %c0_i32 = arith.constant 0 : i32
    %c0_i32_0 = arith.constant 0 : i32
    %c0_i32_1 = arith.constant 0 : i32
    return %c0_i32, %c0_i32_0 : i32, i32
  }
  func.func @transform_4(%arg0: i32) -> (i32, i32) {
    %c0_i32 = arith.constant 0 : i32
    %c0_i32_0 = arith.constant 0 : i32
    return %arg0, %c0_i32 : i32, i32
  }
}

module attributes {stable_mosaic.version = 14 : i64} {
  func.func @_tc3_body(%arg0: i32, %arg1: memref<2000x1xf32, #tpu.memory_space<vmem>>, %arg2: memref<2x2000x256xbf16, #tpu.memory_space<vmem>>, %arg3: memref<1x256xf32, #tpu.memory_space<vmem>>, %arg4: memref<2000x256xf32, #tpu.memory_space<vmem>>) attributes {dimension_semantics = [#tpu.dimension_semantics<arbitrary>], iteration_bounds = array<i64: 5>, scalar_prefetch = 0 : i64, scratch_operands = 0 : i64, tpu.core_type = #tpu.core_type<tc>, window_params = [{transform_indices = @transform_0, window_bounds = array<i64: 2000, 1>}, {transform_indices = @transform_1, window_bounds = array<i64: 2, 2000, 256>}, {pipeline_mode = #tpu.pipeline_mode<synchronous>, transform_indices = @transform_2, window_bounds = array<i64: 1, 256>}, {transform_indices = @transform_3, window_bounds = array<i64: 2000, 256>}]} {
    %get3A = arith.constant 0 : index
    %get3A_0 = arith.constant 0 : index
    %get3A_1 = vector.load %arg1[%get3A, %get3A_0] : memref<2000x1xf32, #tpu.memory_space<vmem>>, vector<2000x1xf32>
    %add3A = arith.constant 1.000000e+00 : f32
    %add3A_2 = vector.broadcast %add3A : f32 to vector<2000x1xf32>
    %add3A_3 = arith.addf %get3A_1, %add3A_2 : vector<2000x1xf32>
    %rsqrt3A = math.rsqrt %add3A_3 : vector<2000x1xf32>
    %get3A_4 = arith.constant 0 : index
    %get3A_5 = arith.constant 0 : index
    %get3A_6 = arith.constant 0 : index
    %get3A_7 = vector.load %arg2[%get3A_4, %get3A_5, %get3A_6] : memref<2x2000x256xbf16, #tpu.memory_space<vmem>>, vector<1x2000x256xbf16>
    %get3A_8 = vector.shape_cast %get3A_7 : vector<1x2000x256xbf16> to vector<2000x256xbf16>
    %convert_element_type3A = arith.extf %get3A_8 : vector<2000x256xbf16> to vector<2000x256xf32>
    %get3A_9 = arith.constant 1 : index
    %get3A_10 = arith.constant 0 : index
    %get3A_11 = arith.constant 0 : index
    %get3A_12 = vector.load %arg2[%get3A_9, %get3A_10, %get3A_11] : memref<2x2000x256xbf16, #tpu.memory_space<vmem>>, vector<1x2000x256xbf16>
    %get3A_13 = vector.shape_cast %get3A_12 : vector<1x2000x256xbf16> to vector<2000x256xbf16>
    %convert_element_type3A_14 = arith.extf %get3A_13 : vector<2000x256xbf16> to vector<2000x256xf32>
    %add3A_15 = arith.addf %convert_element_type3A, %convert_element_type3A_14 : vector<2000x256xf32>
    %mul3A = vector.broadcast %rsqrt3A : vector<2000x1xf32> to vector<2000x256xf32>
    %mul3A_16 = arith.mulf %add3A_15, %mul3A : vector<2000x256xf32>
    %get3A_17 = arith.constant 0 : index
    %get3A_18 = arith.constant 0 : index
    %get3A_19 = vector.load %arg3[%get3A_17, %get3A_18] : memref<1x256xf32, #tpu.memory_space<vmem>>, vector<1x256xf32>
    %add3A_20 = vector.broadcast %get3A_19 : vector<1x256xf32> to vector<2000x256xf32>
    %add3A_21 = arith.addf %mul3A_16, %add3A_20 : vector<2000x256xf32>
    %reduce_max3A = arith.constant dense<0xFF800000> : vector<2000xf32>
    %reduce_max3A_22 = vector.multi_reduction <maximumf>, %add3A_21, %reduce_max3A [1] : vector<2000x256xf32> to vector<2000xf32>
    %broadcast_in_dim3A = vector.shape_cast %reduce_max3A_22 : vector<2000xf32> to vector<2000x1xf32>
    %sub3A = vector.broadcast %broadcast_in_dim3A : vector<2000x1xf32> to vector<2000x256xf32>
    %sub3A_23 = arith.subf %add3A_21, %sub3A : vector<2000x256xf32>
    %exp3A = math.exp %sub3A_23 : vector<2000x256xf32>
    %reduce_sum3A = arith.constant dense<0.000000e+00> : vector<2000xf32>
    %reduce_sum3A_24 = vector.multi_reduction <add>, %exp3A, %reduce_sum3A [1] : vector<2000x256xf32> to vector<2000xf32>
    %broadcast_in_dim3A_25 = vector.shape_cast %reduce_sum3A_24 : vector<2000xf32> to vector<2000x1xf32>
    %div3A = vector.broadcast %broadcast_in_dim3A_25 : vector<2000x1xf32> to vector<2000x256xf32>
    %div3A_26 = arith.divf %exp3A, %div3A : vector<2000x256xf32>
    %swap3A = arith.constant 0 : index
    %swap3A_27 = arith.constant 0 : index
    %swap3A_28 = vector.load %arg4[%swap3A, %swap3A_27] : memref<2000x256xf32, #tpu.memory_space<vmem>>, vector<2000x256xf32>
    tpu.vector_store %arg4[%swap3A, %swap3A_27], %div3A_26 {strides = array<i32>} : memref<2000x256xf32, #tpu.memory_space<vmem>>, vector<2000x256xf32>,
    return
  }
  func.func @transform_0(%arg0: i32) -> (i32, i32) {
    %c0_i32 = arith.constant 0 : i32
    %c0_i32_0 = arith.constant 0 : i32
    return %arg0, %c0_i32 : i32, i32
  }
  func.func @transform_1(%arg0: i32) -> (i32, i32, i32) {
    %c0_i32 = arith.constant 0 : i32
    %c0_i32_0 = arith.constant 0 : i32
    %c0_i32_1 = arith.constant 0 : i32
    return %c0_i32, %arg0, %c0_i32_0 : i32, i32, i32
  }
  func.func @transform_2(%arg0: i32) -> (i32, i32) {
    %c0_i32 = arith.constant 0 : i32
    %c0_i32_0 = arith.constant 0 : i32
    %c0_i32_1 = arith.constant 0 : i32
    return %c0_i32, %c0_i32_0 : i32, i32
  }
  func.func @transform_3(%arg0: i32) -> (i32, i32) {
    %c0_i32 = arith.constant 0 : i32
    %c0_i32_0 = arith.constant 0 : i32
    return %arg0, %c0_i32 : i32, i32
  }
}

</mosaic_0001>

<sc_bundles>
// kernel: kernel.11.cloned.1.call-start
scs
__scs_entry_jumppad:
0x0: {  	(pc) =	sbr.rel $0x88, $3  }
0x1: {  	(tag) =	ssettag $0x0;
	lr =	simm.s32 $0x1  }
0x2: {  	[smem:$0x3F9B] =	sst lr;
	_ =	strace $0xD0000000  }
0x3: {  	_ = 	snop  }
0x4: {  	_ = 	snop  }
0x5: {  	_ = 	snop  }
0x6: {  	_ = 	snop  }
0x7: {  	_ = 	snop  }
__scs_overlays_trampoline_lowered:
0x8: {  	[smem:$0x3FAA] =	sst s0  }
0x9: {  	[smem:$0x3FAB] =	sst s1  }
0xa: {  	[smem:$0x3FAC] =	sst s2  }
0xb: {  	[smem:$0x3FAD] =	sst s3  }
0xc: {  	[smem:$0x3FAE] =	sst s4  }
0xd: {  	[smem:$0x3FAF] =	sst s5  }
0xe: {  	[smem:$0x3FB0] =	sst s6  }
0xf: {  	[smem:$0x3FB1] =	sst s7  }
0x10: {  	[smem:$0x3FB2] =	sst s8  }
0x11: {  	[smem:$0x3FB3] =	sst s9;
	s0 =	simm.s32 @!p0 $0x0  }
0x12: {  	s1 =	sld [smem:$0x3F99];
	s0 =	simm.s32 @p0 $0x1  }
0x13: {  	[smem:$0x3FB4] =	sst s0;
	s0 =	simm.s32 @!p1 $0x0  }
0x14: {  	s2 =	sld [smem:$0x3F98];
	s0 =	simm.s32 @p1 $0x1  }
0x15: {  	[smem:$0x3FB5] =	sst s0;
	s0 =	simm.s32 @!p2 $0x0  }
0x16: {  	s3 =	sld [smem:$0x3FDB];
	s0 =	simm.s32 @p2 $0x1  }
0x17: {  	s4 =	simm.s32 $0x1BF5;
	[smem:$0x3FB7] =	sst s0  }
0x18: {  	s0 =	sld [smem:$0x3F9A];
	_ =	swait.ge [sflag:s4], $0x0  }
0x19: {  	s7 =	sld [smem:$0x3F9B]  }
0x1a: {  	s8 =	sadd.s32 $0xFFFFE003, lr  }
0x1b: {  	s9 =	sadd.s32 $0xFFFFFEF7, lr;
	s5 =	simm.s32 $0xFFFFFFFF;
	p2 =	slt.u32 s8, $0xFFFFF086  }
0x1c: {  	p1 =	slt.u32 s9, $0xF7A;
	s5 =	simm.s32 @!p2 $0x0  }
0x1d: {  	s5 =	simm.s32 @p1 $0x1;
	p0 =	seq.s32 s7, s2  }
0x1e: {  	s7 =	smul.u32 @!p0 $0xF7A, s2;
	p2 =	seq.s32 @!p0 s5, $0x0  }
0x1f: {  	s9 =	smul.u32 $0xF7A, s1;
	s8 =	simm.s32 @!p0 $0x1BF5;
	p2 =	por !p2, p0  }
0x20: {  	[sflag:s8] =	ssyncset.s32 @!p0 $0xFFFFF086;
	s6 =	sadd.s32 @!p0 s3, s7;
	s7 =	simm.s32 @!p0 $0x108  }
0x21: {  	s3 =	sadd.s32 s3, s9;
	s6 =	sadd.s32 @!p0 $0x88, s6;
	s7 =	simm.s32 @p2 $0x1082  }
0x22: {  	[simem:s7], [sflag:s8] =	dma.local @!p0 [hbm:s6], $0xF7A  }
0x23: {  	s9 =	sor.u32 $0xD0000000, s2;
	s6 =	simm.s32 $0x108;
	_ =	swait.ge @!p0 [sflag:s8], $0x0  }
0x24: {  	s3 =	sadd.s32 $0x88, s3;
	s6 =	simm.s32 @!p1 $0x1082;
	[sflag:s4] =	ssyncset.s32 $0xFFFFF086  }
0x25: {  	[simem:s6], [sflag:s4] =	dma.local [hbm:s3], $0xF7A  }
0x26: {  	[smem:$0x3F9B] =	sst s1;
	(tag) =	ssettag s2;
	_ =	strace s9  }
0x27: {  	s1 =	sld [smem:$0x3FAB]  }
0x28: {  	s2 =	sld [smem:$0x3FAC]  }
0x29: {  	s4 =	sld [smem:$0x3FAE]  }
0x2a: {  	p0 =	seq.s32 s5, $0x0;
	s5 =	sld [smem:$0x3FAF]  }
0x2b: {  	s6 =	sld [smem:$0x3FB0]  }
0x2c: {  	s7 =	sld [smem:$0x3FB1]  }
0x2d: {  	s3 =	simm.s32 $0x108;
	s8 =	sld [smem:$0x3FB2]  }
0x2e: {  	s3 =	simm.s32 @!p0 $0x1082;
	s9 =	sld [smem:$0x3FB3]  }
0x2f: {  	lr =	sadd.s32 s0, s3;
	s0 =	sld [smem:$0x3FAA]  }
0x30: {  	s3 =	sld [smem:$0x3FAD]  }
0x31: {  	[smem:$0x3FB6] =	sst s10  }
0x32: {  	s10 =	sld [smem:$0x3FB4];
	_ =	sdelay $0x3  }
0x33: {  	p0 =	seq.s32 s10, $0x1;
	s10 =	sld [smem:$0x3FB6];
	_ =	sdelay $0x3  }
0x34: {  	[smem:$0x3FB6] =	sst s10  }
0x35: {  	s10 =	sld [smem:$0x3FB5];
	_ =	sdelay $0x3  }
0x36: {  	p1 =	seq.s32 s10, $0x1;
	s10 =	sld [smem:$0x3FB6];
	_ =	sdelay $0x3  }
0x37: {  	[smem:$0x3FB6] =	sst s10  }
0x38: {  	s10 =	sld [smem:$0x3FB7]  }
0x39: {  	_ = 	snop;
	(pc) =	sbr.ind lr, $3  }
0x3a: {  	_ = 	snop  }
0x3b: {  	_ = 	snop  }
0x3c: {  	p2 =	seq.s32 s10, $0x1;
	s10 =	sld [smem:$0x3FB6]  }
0x3d: {  	_ =	shalt  }
0x3e: {  	_ =	shalt  }
0x3f: {  	_ =	shalt  }
0x40: {  	_ =	shalt  }
0x41: {  	_ =	shalt  }
0x42: {  	_ =	shalt  }
0x43: {  	_ =	shalt  }
0x44: {  	_ =	shalt  }
0x45: {  	_ =	shalt  }
0x46: {  	_ =	shalt  }
0x47: {  	_ =	shalt  }
0x48: {  	_ =	shalt  }
0x49: {  	_ =	shalt  }
0x4a: {  	_ =	shalt  }
0x4b: {  	_ =	shalt  }
0x4c: {  	_ =	shalt  }
0x4d: {  	_ =	shalt  }
0x4e: {  	_ =	shalt  }
0x4f: {  	_ =	shalt  }
0x50: {  	_ =	shalt  }
0x51: {  	_ =	shalt  }
0x52: {  	_ =	shalt  }
0x53: {  	_ =	shalt  }
0x54: {  	_ =	shalt  }
0x55: {  	_ =	shalt  }
0x56: {  	_ =	shalt  }
0x57: {  	_ =	shalt  }
0x58: {  	_ =	shalt  }
0x59: {  	_ =	shalt  }
0x5a: {  	_ =	shalt  }
0x5b: {  	_ =	shalt  }
0x5c: {  	_ =	shalt  }
0x5d: {  	_ =	shalt  }
0x5e: {  	_ =	shalt  }
0x5f: {  	_ =	shalt  }
0x60: {  	_ =	shalt  }
0x61: {  	_ =	shalt  }
0x62: {  	_ =	shalt  }
0x63: {  	_ =	shalt  }
0x64: {  	_ =	shalt  }
0x65: {  	_ =	shalt  }
0x66: {  	_ =	shalt  }
0x67: {  	_ =	shalt  }
0x68: {  	_ =	shalt  }
0x69: {  	_ =	shalt  }
0x6a: {  	_ =	shalt  }
0x6b: {  	_ =	shalt  }
0x6c: {  	_ =	shalt  }
0x6d: {  	_ =	shalt  }
0x6e: {  	_ =	shalt  }
0x6f: {  	_ =	shalt  }
0x70: {  	_ =	shalt  }
0x71: {  	_ =	shalt  }
0x72: {  	_ =	shalt  }
0x73: {  	_ =	shalt  }
0x74: {  	_ =	shalt  }
0x75: {  	_ =	shalt  }
0x76: {  	_ =	shalt  }
0x77: {  	_ =	shalt  }
0x78: {  	_ =	shalt  }
0x79: {  	_ =	shalt  }
0x7a: {  	_ =	shalt  }
0x7b: {  	_ =	shalt  }
0x7c: {  	_ =	shalt  }
0x7d: {  	_ =	shalt  }
0x7e: {  	_ =	shalt  }
0x7f: {  	_ =	shalt  }
0x80: {  	_ =	shalt  }
0x81: {  	_ =	shalt  }
0x82: {  	_ =	shalt  }
0x83: {  	_ =	shalt  }
0x84: {  	_ =	shalt  }
0x85: {  	_ =	shalt  }
0x86: {  	_ =	shalt  }
0x87: {  	_ =	shalt  }
.Lfunc_end0:
.L_simem_size_0:
called_computation.1_lowered:
.L_overlay_start_0:
0x88: {  	s2 =	sld [smem:$0x3FD9]  }
0x89: {  	s3 =	sld [smem:$0x3FFE];
	_ =	sdelay $0x1  }
0x8a: {  	s1 =	srdreg.scid  }
0x8b: {  	s0 =	sand.u32 $0x1, s1  }
0x8c: {  	s17 =	sshll.u32 s0, $0xA;
	s2 =	sadd.s32 s3, s2  }
0x8d: {  	s2 =	sadd.s32 s2, s17  }
0x8e: {  	[smem:$0x3FC2] =	sst s2  }
0x8f: {  	_ = 	snop  }
0x90: {  	s2 =	sld [smem:$0x3FD0];
	(tm) =	ssettm $0x1  }
0x91: {  	s18 =	sld [smem:$0x3FFB];
	_ =	sdelay $0x3  }
0x92: {  	_ =	strace s18  }
0x93: {  	s3 =	sld [smem:$0x3FFC];
	_ =	sdelay $0x3  }
0x94: {  	_ =	strace s3  }
0x95: {  	s3 =	sld [smem:$0x3FFD];
	_ =	sdelay $0x3  }
0x96: {  	_ =	strace s3  }
0x97: {  	_ =	strace $0x8FFFFFFF  }
0x98: {  	s19 =	sld [smem:$0x3FDB];
	_ =	sdelay $0x1  }
0x99: {  	s4 =	simm.s32 $_scs_section_size  }
0x9a: {  	s5 =	simm.s32 $_size__tile_overlayer_lowered;
	s6 =	simm.s32 $_tile_overlayer_lowered  }
0x9b: {  	s22 =	simm.s32 $0x1BFF;
	s21 =	sshll.u32 s6, $0x1;
	s3 =	sadd.s32 s4, s19  }
0x9c: {  	s7 =	simm.s32 $0x0;
	s20 =	sshll.u32 s5, $0x1;
	s5 =	sadd.s32 s21, s3  }
0x9d: {  	[timem:s7], [sflag:s22] =	dma.local [hbm:s5], s20  }
0x9e: {  	_ =	swait.ge [sflag:s22], s20  }
0x9f: {  	s4 =	ssub.s32 $0x0, s20;
	[sflag:s22] =	ssyncset.done $0x0  }
0xa0: {  	[sflag:s22] =	ssyncadd.s32 s4;
	_ =	sdelay $0x1  }
0xa1: {  	s23 =	simm.s32 $0x1B8B  }
0xa2: {  	_ =	swait.ge [sflag:s23], $0x1  }
0xa3: {  	[sflag:s23] =	ssyncset.done $0x0  }
0xa4: {  	s25 =	simm.s32 $0x1B8E;
	s24 =	sld [smem:$0x3FFE];
	[sflag:s23] =	ssyncadd.s32 $0xFFFFFFFF  }
0xa5: {  	s26 =	simm.s32 $execute0_lowered;
	[smem:$0x3FD2] =	sst s25  }
0xa6: {  	s5 =	sshll.u32 s26, $0x1;
	_ =	strace $0x80000049;
	[dreg:$0x1] =	wrdreg $0xFFFFFFFF  }
0xa7: {  	s28 =	simm.s32 $_size_execute0_lowered;
	s3 =	sadd.s32 s3, s5;
	[dreg:$0x0] =	wrdreg $0x0  }
0xa8: {  	s5 =	sshll.u32 s28, $0x1;
	[dreg:$0x2] =	wrdreg s3  }
0xa9: {  	[dreg:$0x3] =	wrdreg s5  }
0xaa: {  	[dreg:$0x4] =	wrdreg $0xC0  }
0xab: {  	_ =	task [dreg:s7], $0x5FFFF  }
0xac: {  	[dreg:$0x1] =	wrdreg $0xFFFFFFFF  }
0xad: {  	[dreg:$0x0] =	wrdreg $0x60  }
0xae: {  	[dreg:$0x2] =	wrdreg s24  }
0xaf: {  	[dreg:$0x3] =	wrdreg s2  }
0xb0: {  	[dreg:$0x4] =	wrdreg $0xBC000  }
0xb1: {  	[dreg:$0x5] =	wrdreg $0x9  }
0xb2: {  	_ =	task.clear_ibuf [dreg:s7], $0x6FFFF;
	_ =	strace $0x90000049  }
0xb3: {  	s29 =	simm.s32 $0x9;
	_ =	strace $0x8000004B  }
0xb4: {  	_ =	swait.ge [sflag:s29], $0x1  }
0xb5: {  	[sflag:s29] =	ssyncadd.s32 $0xFFFFFFFF  }
0xb6: {  	_ =	strace $0x9000004B  }
0xb7: {  	_ =	sfence  }
0xb8: {  	s30 =	sld [smem:$0x0];
	_ =	sdelay $0x2  }
0xb9: {  	s31 =	sshll.u32 s1, $0xD;
	s1 =	sshrl.u32 s1, $0x2  }
0xba: {  	s3 =	sand.u32 $0x4000, s31;
	s1 =	sadd.s32 s1, s30  }
0xbb: {  	s0 =	sor.u32 s3, s0;
	s1 =	sshll.u32 s1, $0x11  }
0xbc: {  	s0 =	sor.u32 s1, s0  }
0xbd: {  	s0 =	sadd.s32 $0x8F2B, s0  }
0xbe: {  	[sflag:s0] =	ssyncadd.remote.s32 $0x1  }
0xbf: {  	_ =	sfence.sel $0xFFFF  }
0xc0: {  	[dreg:$0x0] =	wrdreg $0xFFFFFFFF;
	(pc) =	sbr.abs _section_cstart, $3  }
0xc1: {  	[dreg:$0x1] =	wrdreg $0xFFFFFFFF  }
0xc2: {  	_ =	task.clear_ibuf [dreg:s7], $0x2FFFF;
	_ =	strace $0x9FFFFFFF  }
0xc3: {  	(tm) =	ssettm $0x7FFFFFFF  }
tec
execute0_lowered:
.L_overlay_start_1:
0x0: {  	(tag) =	ssettag $0x1  }
0x1: {  	s0 =	rddreg [dreg:$0x0]  }
0x2: {  	s1 =	rddreg [dreg:$0x1];
	s9 =	stileid.u32  }
0x3: {  	s2 =	rddreg [dreg:$0x2];
	s5 =	smul.u32 $0x3C, s9  }
0x4: {  	s3 =	simm.s32 $0x0;
	s4 =	srdreg.scid;
	s7 =	smul.u32 $0x14, s9  }
0x5: {  	s17 =	simm.s32 $0x3;
	s20 =	simm.s32 $0x80;
	s8 =	smul.u32 $0x27000, s9  }
0x6: {  	[smem:$0x7FF] =	sst s3;
	s6 =	sand.u32 $0x1, s4;
	s11 =	smul.u32 $0x2700, s9  }
0x7: {  	s4 =	sadd.s32 $0x37C00, s0;
	s10 =	sadd.s32 $0xBA00, s0;
	s13 =	smul.u32 $0x4E000, s9  }
0x8: {  	p1 =	seq.s32 s9, $0xF;
	p2 =	sne.s32 s9, $0xF;
	_ =	strace $0x8000004A  }
0x9: {  	p0 =	seq.s32 s6, $0x0;
	s21 =	ssub.s32 $0x2, s6;
	s12 =	smul.u32 $0x27100, s6  }
0xa: {  	[dreg:$0x4] =	wrdreg s10;
	s14 =	smul.u32 $0x271000, s6;
	s5 =	sadd.s32 $0x140, s5  }
0xb: {  	s22 =	sshrl.u32 s21, $0x1;
	s23 =	sshrl.u32 s8, $0x1;
	s8 =	sshrl.u32 s8, $0x4  }
0xc: {  	s28 =	sshrl.u32 s13, $0x2;
	s5 =	smov.u32 @p0 s7;
	s16 =	sadd.s32 s23, s2  }
0xd: {  	s24 =	sadd.s32 s10, s8;
	s7 =	sadd.s32 $0x138000, s2;
	s8 =	sadd.s32 s4, s8  }
0xe: {  	s26 =	sadd.s32 s11, s12;
	s29 =	sshrl.u32 s14, $0x4;
	s30 =	sadd.s32 s28, s2  }
0xf: {  	s14 =	sshll.u32 s9, $0x6;
	p0 =	sne.s32 s6, $0x0;
	[dreg:$0x5] =	wrdreg s24  }
0x10: {  	s23 =	simm.s32 $0x1;
	s5 =	sshll.u32 s5, $0x4;
	[dreg:$0x6] =	wrdreg s8  }
0x11: {  	s11 =	sadd.s32 s1, s26;
	s1 =	sadd.s32 s1, s29;
	s15 =	sor.u32 $0x1C03, s14  }
0x12: {  	s16 =	sshrl.u32 s16, $0x3;
	s31 =	sshrl.u32 s7, $0x3;
	s24 =	simm.s32 $0x2  }
0x13: {  	s26 =	simm.s32 $0x0;
	s0 =	sadd.s32 s5, s0;
	s5 =	ssub.s32 s21, s22  }
0x14: {  	s12 =	sadd.s32 $0x27000, s1;
	[dreg:$0x8] =	wrdreg s31;
	s21 =	simm.s32 $0x3C00  }
0x15: {  	s22 =	simm.s32 $0x7C00;
	s25 =	sadd.s32 $0x32C00, s0;
	s10 =	sadd.s32 $0x1800, s0  }
0x16: {  	s13 =	smax.u32 s5, $0x1;
	[dreg:$0x7] =	wrdreg s25;
	s25 =	sshrl.u32 s30, $0x3  }
.LBB2_1:
.Ltmp0:
0x17: {  	(pc) =	sbr.rel @p0 .LBB2_3-.Ltmp0, $1  }
0x18: {  	_ =	sdelay $0x3  }
0x19: {  	s0 =	rddreg [dreg:$0x6]  }
0x1a: {  	[spmem:s16], [sflag:s15] =	dma.local [hbm:s0], $0x2700  }
.Ltmp1:
0x1b: {  	_ = 	snop;
	(pc) =	sbr.rel @p1 .LBB2_4-.Ltmp1, $4  }
.Ltmp2:
0x1c: {  	_ = 	snop;
	(pc) =	sbr.rel @!p1 .LBB2_5-.Ltmp2, $4  }
0x1d: {  	_ =	swait.ge [sflag:s17], $0x2700  }
0x1e: {  	s28 =	simm.s32 $0x14;
	[sflag:s17] =	ssyncset.done $0x0  }
0x1f: {  	s1 =	smov.u32 s4;
	s0 =	smov.u32 s15;
	[sflag:s17] =	ssyncadd.s32 $0xFFFFD900  }
0x20: {  	_ = 	snop  }
.LBB2_3:
.Ltmp3:
0x21: {  	s0 =	sor.u32 $0x1C03, s14;
	s1 =	rddreg [dreg:$0x5];
	(pc) =	sbr.rel @p2 .LBB2_5-.Ltmp3, $4  }
0x22: {  	[spmem:s16], [sflag:s0] =	dma.local [hbm:s1], $0x2700  }
0x23: {  	_ =	swait.ge [sflag:s17], $0x2700  }
0x24: {  	[sflag:s17] =	ssyncset.done $0x0  }
0x25: {  	s28 =	simm.s32 $0x3C;
	s1 =	rddreg [dreg:$0x4];
	[sflag:s17] =	ssyncadd.s32 $0xFFFFD900  }
.LBB2_4:
0x26: {  	s1 =	sadd.s32 $0x27000, s1;
	s5 =	rddreg [dreg:$0x8]  }
0x27: {  	[spmem:s5], [sflag:s0] =	dma.local [hbm:s1], $0x100  }
0x28: {  	_ =	swait.ge [sflag:s17], $0x100  }
0x29: {  	[sflag:s17] =	ssyncset.done $0x0  }
0x2a: {  	[sflag:s17] =	ssyncadd.s32 $0xFFFFFF00  }
.LBB2_5:
0x2b: {  	s0 =	rddreg [dreg:$0x7];
	s9 =	simm.s32 $0x3  }
0x2c: {  	[tilespmem:s3], [sflag:$0x3] =	stream.linear.gather [hbm4b:s0+s3], $0x1E00, $0x38;
	[tilespmem:$0x1F4C0] =	vst v63  }
0x2d: {  	_ =	swait.ge [sflag:s9], $0x1E00  }
0x2e: {  	[sflag:s9] =	ssyncset.done $0x0  }
0x2f: {  	s1 =	simm.s32 $0x1E00;
	[sflag:s9] =	ssyncadd.s32 $0xFFFFE200  }
0x30: {  	[tilespmem:s1], [sflag:$0x3] =	stream.linear.gather [hbm4b:s10+s3], $0x1E00, $0x38;
	[tilespmem:$0x1F4C0] =	vst v63  }
0x31: {  	_ =	swait.ge [sflag:s9], $0x1E00  }
0x32: {  	[sflag:s9] =	ssyncset.done $0x0  }
0x33: {  	[sflag:s9] =	ssyncadd.s32 $0xFFFFE200  }
0x34: {  	[bflag:$0x0] =	sbarrier.arrive $0xFFFF  }
0x35: {  	[tilespmem:s21], [sflag:$0x1] =	stream.indirect.gather [hbm4b:s4+s20], $0x80, s3, s20, $0xb8;
	[tilespmem:$0x1F4C0] =	vst v63  }
0x36: {  	_ = 	snop  }
0x37: {  	[tilespmem:s22], [sflag:$0x2] =	stream.indirect.gather [hbm4b:s4+s20], $0x80, s20, s20, $0xb8;
	[tilespmem:$0x1F4C0] =	vst v63  }
0x38: {  	_ =	swait.ge [sflag:s23], $0x4000  }
0x39: {  	[sflag:s23] =	ssyncset.done $0x0  }
0x3a: {  	s18 =	simm.s32 $0x1E00;
	[sflag:s23] =	ssyncadd.s32 $0xFFFFC000  }
0x3b: {  	[spmem:s2] =	stream.indirect.scatter.add.bf16 [tilespmem:s21], [sflag:$0x3], $0x80, s18, s20, $0xb8;
	[tilespmem:$0x1F4C0] =	vst v63  }
0x3c: {  	p3 =	sle.u32 s28, $0x2;
	s19 =	sshrl.u32 s28, $0x1;
	_ =	swait.ge [sflag:s17], $0x4000  }
0x3d: {  	s5 =	simm.s32 @!p3 $0x80;
	s6 =	simm.s32 @!p3 $0x3C00;
	[sflag:s17] =	ssyncset.done $0x0  }
0x3e: {  	s0 =	sadd.s32 $0xFFFFFFFF, s19;
	s1 =	simm.s32 @!p3 $0x100;
	[sflag:s17] =	ssyncadd.s32 $0xFFFFC000  }
0x3f: {  	[tilespmem:s6], [sflag:$0x1] =	stream.indirect.gather @!p3 [hbm4b:s4+s5], $0x80, s1, s5, $0xb8;
	[tilespmem:$0x1F4C0] =	vst v63  }
0x40: {  	s29 =	simm.s32 $0x180;
	s1 =	sadd.s32 $0xFFFFFFFF, s0  }
0x41: {  	s31 =	simm.s32 $0x1F80;
	_ =	swait.ge [sflag:s24], $0x4000;
	p3 =	sne.s32 s1, $0x0  }
.Ltmp4:
0x42: {  	p4 =	sle.u32 s28, $0x3;
	[sflag:s24] =	ssyncset.done $0x0;
	(pc) =	sbr.rel @!p3 .LBB2_7-.Ltmp4, $4  }
0x43: {  	s30 =	simm.s32 $0x5;
	s0 =	simm.s32 $0x1E80;
	[sflag:s24] =	ssyncadd.s32 $0xFFFFC000  }
0x44: {  	[spmem:s2] =	stream.indirect.scatter.add.bf16 [tilespmem:s22], [sflag:$0x3], $0x80, s0, s20, $0xb8;
	[tilespmem:$0x1F4C0] =	vst v63  }
0x45: {  	s8 =	simm.s32 @!p4 $0x80;
	s19 =	simm.s32 @!p4 $0x7C00;
	_ =	swait.ge [sflag:s17], $0x4000  }
0x46: {  	s5 =	simm.s32 $0x180;
	s6 =	simm.s32 $0x180;
	[sflag:s17] =	ssyncset.done $0x0  }
.LBB2_6:
0x47: {  	s6 =	smov.u32 s29;
	s0 =	smov.u32 s31  }
0x48: {  	s1 =	sadd.s32 $0xFFFFFFFF, s1;
	s29 =	sadd.s32 $0x100, s29;
	[sflag:s17] =	ssyncadd.s32 $0xFFFFC000  }
0x49: {  	[tilespmem:s19], [sflag:$0x2] =	stream.indirect.gather @!p4 [hbm4b:s4+s8], $0x80, s5, s8, $0xb8;
	[tilespmem:$0x1F4C0] =	vst v63  }
0x4a: {  	p3 =	sne.s32 s1, $0x0;
	s5 =	smov.u32 s29;
	_ =	swait.ge [sflag:s23], $0x4000  }
0x4b: {  	s8 =	sadd.s32 $0xFFFFFF80, s31;
	s19 =	smov.u32 s31;
	[sflag:s23] =	ssyncset.done $0x0  }
0x4c: {  	s18 =	sadd.s32 $0xFFFFFFFF, s30;
	[sflag:s23] =	ssyncadd.s32 $0xFFFFC000  }
0x4d: {  	[spmem:s2] =	stream.indirect.scatter.add.bf16 [tilespmem:s21], [sflag:$0x3], $0x80, s8, s20, $0xb8;
	[tilespmem:$0x1F4C0] =	vst v63  }
0x4e: {  	p4 =	sge.u32 s18, s28;
	_ =	swait.ge [sflag:s17], $0x4000  }
0x4f: {  	s18 =	simm.s32 @!p4 $0x80;
	s8 =	sadd.s32 @!p4 $0xFFFFFF80, s29;
	[sflag:s17] =	ssyncset.done $0x0  }
0x50: {  	s9 =	simm.s32 @!p4 $0x3C00;
	[sflag:s17] =	ssyncadd.s32 $0xFFFFC000  }
0x51: {  	[tilespmem:s9], [sflag:$0x1] =	stream.indirect.gather @!p4 [hbm4b:s4+s18], $0x80, s8, s18, $0xb8;
	[tilespmem:$0x1F4C0] =	vst v63  }
0x52: {  	_ =	swait.ge [sflag:s24], $0x4000  }
.Ltmp5:
0x53: {  	[sflag:s24] =	ssyncset.done $0x0;
	(pc) =	sbr.rel @p3 .LBB2_6-.Ltmp5, $4  }
0x54: {  	s31 =	sadd.s32 $0x100, s31;
	[sflag:s24] =	ssyncadd.s32 $0xFFFFC000  }
0x55: {  	[spmem:s2] =	stream.indirect.scatter.add.bf16 [tilespmem:s22], [sflag:$0x3], $0x80, s19, s20, $0xb8;
	[tilespmem:$0x1F4C0] =	vst v63  }
0x56: {  	p4 =	sge.u32 s30, s28;
	s30 =	sadd.s32 $0x2, s30;
	_ =	swait.ge [sflag:s17], $0x4000  }
0x57: {  	s8 =	simm.s32 @!p4 $0x80;
	s19 =	simm.s32 @!p4 $0x7C00;
	[sflag:s17] =	ssyncset.done $0x0  }
.LBB2_7:
0x58: {  	[sflag:s17] =	ssyncadd.s32 $0xFFFFC000  }
0x59: {  	[tilespmem:s19], [sflag:$0x2] =	stream.indirect.gather @!p4 [hbm4b:s4+s8], $0x80, s5, s8, $0xb8;
	[tilespmem:$0x1F4C0] =	vst v63  }
0x5a: {  	_ =	swait.ge [sflag:s23], $0x4000  }
0x5b: {  	[sflag:s23] =	ssyncset.done $0x0  }
0x5c: {  	s0 =	sadd.s32 $0x80, s0;
	s19 =	sadd.s32 $0xFFFFFFFF, s30;
	[sflag:s23] =	ssyncadd.s32 $0xFFFFC000  }
0x5d: {  	[spmem:s2] =	stream.indirect.scatter.add.bf16 [tilespmem:s21], [sflag:$0x3], $0x80, s0, s20, $0xb8;
	[tilespmem:$0x1F4C0] =	vst v63  }
0x5e: {  	p3 =	sge.u32 s19, s28;
	_ =	swait.ge [sflag:s17], $0x4000  }
0x5f: {  	s1 =	simm.s32 @!p3 $0x80;
	[sflag:s17] =	ssyncset.done $0x0  }
0x60: {  	s5 =	simm.s32 @!p3 $0x3C00;
	s0 =	sadd.s32 @!p3 $0x80, s6;
	[sflag:s17] =	ssyncadd.s32 $0xFFFFC000  }
0x61: {  	[tilespmem:s5], [sflag:$0x1] =	stream.indirect.gather @!p3 [hbm4b:s4+s1], $0x80, s0, s1, $0xb8;
	[tilespmem:$0x1F4C0] =	vst v63  }
0x62: {  	_ =	swait.ge [sflag:s24], $0x4000  }
0x63: {  	[sflag:s24] =	ssyncset.done $0x0  }
0x64: {  	[sflag:s24] =	ssyncadd.s32 $0xFFFFC000  }
0x65: {  	[spmem:s2] =	stream.indirect.scatter.add.bf16 [tilespmem:s22], [sflag:$0x3], $0x80, s31, s20, $0xb8;
	[tilespmem:$0x1F4C0] =	vst v63  }
0x66: {  	_ =	swait.ge [sflag:s17], $0x4000  }
0x67: {  	s0 =	sadd.s32 $0x100, s29;
	p3 =	sge.u32 s30, s28;
	[sflag:s17] =	ssyncset.done $0x0  }
0x68: {  	s1 =	simm.s32 @!p3 $0x80;
	s5 =	simm.s32 @!p3 $0x7C00;
	[sflag:s17] =	ssyncadd.s32 $0xFFFFC000  }
0x69: {  	[tilespmem:s5], [sflag:$0x2] =	stream.indirect.gather @!p3 [hbm4b:s4+s1], $0x80, s0, s1, $0xb8;
	[tilespmem:$0x1F4C0] =	vst v63  }
0x6a: {  	s0 =	sor.u32 $0x1C03, s14;
	[bflag:$0x0] =	sbarrier.arrive $0xFFFF  }
0x6b: {  	[hbm:s11], [sflag:s0] =	dma.local [spmem:s25], $0x2700  }
0x6c: {  	_ =	swait.ge [sflag:s17], $0x2700  }
0x6d: {  	s26 =	sadd.s32 $0x1, s26;
	[sflag:s17] =	ssyncset.done $0x0  }
0x6e: {  	s1 =	sshrl.u32 @!p2 s7, $0x3;
	p3 =	sne.s32 s26, s13;
	[sflag:s17] =	ssyncadd.s32 $0xFFFFD900  }
0x6f: {  	[hbm:s12], [sflag:s0] =	dma.local @!p2 [spmem:s1], $0x100  }
.Ltmp6:
0x70: {  	_ = 	snop;
	(pc) =	sbr.rel @p3 .LBB2_1-.Ltmp6, $4  }
0x71: {  	s0 =	simm.s32 @!p2 $0x3  }
0x72: {  	_ =	swait.ge @!p2 [sflag:s0], $0x100  }
0x73: {  	[sflag:s0] =	ssyncset.done @!p2 $0x0  }
0x74: {  	[sflag:s0] =	ssyncadd.s32 @!p2 $0xFFFFFF00  }
0x75: {  	_ =	sfence.sel $0x180000  }
0x76: {  	[bflag:$0x0] =	sbarrier.arrive $0xFFFF  }
0x77: {  	_ =	strace $0x9000004A  }
0x78: {  	s0 =	stileid.u32;
	[bflag:$0x2] =	sbarrier.arrive $0xFFFF  }
0x79: {  	p0 =	sne.s32 s0, $0x0;
	s0 =	rddreg [dreg:$0x3]  }
0x7a: {  	s0 =	sadd.s32 @!p0 $0x100000, s0  }
0x7b: {  	[sflag:s0] =	ssyncadd.tile.s32 @!p0 $0x1;
	_ =	shalt  }
.Lfunc_end2:
_tile_overlayer_lowered:
.L_overlay_start_2:
0x7c: {  	(tag) =	ssettag $0x2  }
0x7d: {  	s0 =	rddreg [dreg:$0x0];
	s2 =	stileid.u32  }
0x7e: {  	s1 =	rddreg [dreg:$0x1];
	p0 =	sne.s32 s2, $0x0  }
0x7f: {  	s3 =	rddreg [dreg:$0x2];
	[bflag:$0x3] =	sbarrier.arrive $0xFFFF;
	s2 =	simm.s32 @!p0 $0x1C03  }
0x80: {  	[timem:s3], [sflag:s2] =	dma.local @!p0 [hbm:s0], s1  }
0x81: {  	s0 =	simm.s32 @!p0 $0x3  }
0x82: {  	_ =	swait.ge @!p0 [sflag:s0], s1  }
0x83: {  	s1 =	ssub.s32 @!p0 $0x0, s1;
	[sflag:s0] =	ssyncset.done @!p0 $0x0  }
0x84: {  	[sflag:s0] =	ssyncadd.s32 @!p0 s1  }
0x85: {  	[bflag:$0x3] =	sbarrier.arrive $0xFFFF  }
0x86: {  	_ =	shalt  }

// kernel: kernel.14.cloned.1.call-start
scs
__scs_entry_jumppad:
0x0: {  	(pc) =	sbr.rel $0x88, $3  }
0x1: {  	(tag) =	ssettag $0x0;
	lr =	simm.s32 $0x1  }
0x2: {  	[smem:$0x3F9B] =	sst lr;
	_ =	strace $0xD0000000  }
0x3: {  	_ = 	snop  }
0x4: {  	_ = 	snop  }
0x5: {  	_ = 	snop  }
0x6: {  	_ = 	snop  }
0x7: {  	_ = 	snop  }
__scs_overlays_trampoline_lowered:
0x8: {  	[smem:$0x3FAA] =	sst s0  }
0x9: {  	[smem:$0x3FAB] =	sst s1  }
0xa: {  	[smem:$0x3FAC] =	sst s2  }
0xb: {  	[smem:$0x3FAD] =	sst s3  }
0xc: {  	[smem:$0x3FAE] =	sst s4  }
0xd: {  	[smem:$0x3FAF] =	sst s5  }
0xe: {  	[smem:$0x3FB0] =	sst s6  }
0xf: {  	[smem:$0x3FB1] =	sst s7  }
0x10: {  	[smem:$0x3FB2] =	sst s8  }
0x11: {  	[smem:$0x3FB3] =	sst s9;
	s0 =	simm.s32 @!p0 $0x0  }
0x12: {  	s1 =	sld [smem:$0x3F99];
	s0 =	simm.s32 @p0 $0x1  }
0x13: {  	[smem:$0x3FB4] =	sst s0;
	s0 =	simm.s32 @!p1 $0x0  }
0x14: {  	s2 =	sld [smem:$0x3F98];
	s0 =	simm.s32 @p1 $0x1  }
0x15: {  	[smem:$0x3FB5] =	sst s0;
	s0 =	simm.s32 @!p2 $0x0  }
0x16: {  	s3 =	sld [smem:$0x3FDB];
	s0 =	simm.s32 @p2 $0x1  }
0x17: {  	s4 =	simm.s32 $0x1BF5;
	[smem:$0x3FB7] =	sst s0  }
0x18: {  	s0 =	sld [smem:$0x3F9A];
	_ =	swait.ge [sflag:s4], $0x0  }
0x19: {  	s7 =	sld [smem:$0x3F9B]  }
0x1a: {  	s8 =	sadd.s32 $0xFFFFE003, lr  }
0x1b: {  	s9 =	sadd.s32 $0xFFFFFEF7, lr;
	s5 =	simm.s32 $0xFFFFFFFF;
	p2 =	slt.u32 s8, $0xFFFFF086  }
0x1c: {  	p1 =	slt.u32 s9, $0xF7A;
	s5 =	simm.s32 @!p2 $0x0  }
0x1d: {  	s5 =	simm.s32 @p1 $0x1;
	p0 =	seq.s32 s7, s2  }
0x1e: {  	s7 =	smul.u32 @!p0 $0xF7A, s2;
	p2 =	seq.s32 @!p0 s5, $0x0  }
0x1f: {  	s9 =	smul.u32 $0xF7A, s1;
	s8 =	simm.s32 @!p0 $0x1BF5;
	p2 =	por !p2, p0  }
0x20: {  	[sflag:s8] =	ssyncset.s32 @!p0 $0xFFFFF086;
	s6 =	sadd.s32 @!p0 s3, s7;
	s7 =	simm.s32 @!p0 $0x108  }
0x21: {  	s3 =	sadd.s32 s3, s9;
	s6 =	sadd.s32 @!p0 $0x88, s6;
	s7 =	simm.s32 @p2 $0x1082  }
0x22: {  	[simem:s7], [sflag:s8] =	dma.local @!p0 [hbm:s6], $0xF7A  }
0x23: {  	s9 =	sor.u32 $0xD0000000, s2;
	s6 =	simm.s32 $0x108;
	_ =	swait.ge @!p0 [sflag:s8], $0x0  }
0x24: {  	s3 =	sadd.s32 $0x88, s3;
	s6 =	simm.s32 @!p1 $0x1082;
	[sflag:s4] =	ssyncset.s32 $0xFFFFF086  }
0x25: {  	[simem:s6], [sflag:s4] =	dma.local [hbm:s3], $0xF7A  }
0x26: {  	[smem:$0x3F9B] =	sst s1;
	(tag) =	ssettag s2;
	_ =	strace s9  }
0x27: {  	s1 =	sld [smem:$0x3FAB]  }
0x28: {  	s2 =	sld [smem:$0x3FAC]  }
0x29: {  	s4 =	sld [smem:$0x3FAE]  }
0x2a: {  	p0 =	seq.s32 s5, $0x0;
	s5 =	sld [smem:$0x3FAF]  }
0x2b: {  	s6 =	sld [smem:$0x3FB0]  }
0x2c: {  	s7 =	sld [smem:$0x3FB1]  }
0x2d: {  	s3 =	simm.s32 $0x108;
	s8 =	sld [smem:$0x3FB2]  }
0x2e: {  	s3 =	simm.s32 @!p0 $0x1082;
	s9 =	sld [smem:$0x3FB3]  }
0x2f: {  	lr =	sadd.s32 s0, s3;
	s0 =	sld [smem:$0x3FAA]  }
0x30: {  	s3 =	sld [smem:$0x3FAD]  }
0x31: {  	[smem:$0x3FB6] =	sst s10  }
0x32: {  	s10 =	sld [smem:$0x3FB4];
	_ =	sdelay $0x3  }
0x33: {  	p0 =	seq.s32 s10, $0x1;
	s10 =	sld [smem:$0x3FB6];
	_ =	sdelay $0x3  }
0x34: {  	[smem:$0x3FB6] =	sst s10  }
0x35: {  	s10 =	sld [smem:$0x3FB5];
	_ =	sdelay $0x3  }
0x36: {  	p1 =	seq.s32 s10, $0x1;
	s10 =	sld [smem:$0x3FB6];
	_ =	sdelay $0x3  }
0x37: {  	[smem:$0x3FB6] =	sst s10  }
0x38: {  	s10 =	sld [smem:$0x3FB7]  }
0x39: {  	_ = 	snop;
	(pc) =	sbr.ind lr, $3  }
0x3a: {  	_ = 	snop  }
0x3b: {  	_ = 	snop  }
0x3c: {  	p2 =	seq.s32 s10, $0x1;
	s10 =	sld [smem:$0x3FB6]  }
0x3d: {  	_ =	shalt  }
0x3e: {  	_ =	shalt  }
0x3f: {  	_ =	shalt  }
0x40: {  	_ =	shalt  }
0x41: {  	_ =	shalt  }
0x42: {  	_ =	shalt  }
0x43: {  	_ =	shalt  }
0x44: {  	_ =	shalt  }
0x45: {  	_ =	shalt  }
0x46: {  	_ =	shalt  }
0x47: {  	_ =	shalt  }
0x48: {  	_ =	shalt  }
0x49: {  	_ =	shalt  }
0x4a: {  	_ =	shalt  }
0x4b: {  	_ =	shalt  }
0x4c: {  	_ =	shalt  }
0x4d: {  	_ =	shalt  }
0x4e: {  	_ =	shalt  }
0x4f: {  	_ =	shalt  }
0x50: {  	_ =	shalt  }
0x51: {  	_ =	shalt  }
0x52: {  	_ =	shalt  }
0x53: {  	_ =	shalt  }
0x54: {  	_ =	shalt  }
0x55: {  	_ =	shalt  }
0x56: {  	_ =	shalt  }
0x57: {  	_ =	shalt  }
0x58: {  	_ =	shalt  }
0x59: {  	_ =	shalt  }
0x5a: {  	_ =	shalt  }
0x5b: {  	_ =	shalt  }
0x5c: {  	_ =	shalt  }
0x5d: {  	_ =	shalt  }
0x5e: {  	_ =	shalt  }
0x5f: {  	_ =	shalt  }
0x60: {  	_ =	shalt  }
0x61: {  	_ =	shalt  }
0x62: {  	_ =	shalt  }
0x63: {  	_ =	shalt  }
0x64: {  	_ =	shalt  }
0x65: {  	_ =	shalt  }
0x66: {  	_ =	shalt  }
0x67: {  	_ =	shalt  }
0x68: {  	_ =	shalt  }
0x69: {  	_ =	shalt  }
0x6a: {  	_ =	shalt  }
0x6b: {  	_ =	shalt  }
0x6c: {  	_ =	shalt  }
0x6d: {  	_ =	shalt  }
0x6e: {  	_ =	shalt  }
0x6f: {  	_ =	shalt  }
0x70: {  	_ =	shalt  }
0x71: {  	_ =	shalt  }
0x72: {  	_ =	shalt  }
0x73: {  	_ =	shalt  }
0x74: {  	_ =	shalt  }
0x75: {  	_ =	shalt  }
0x76: {  	_ =	shalt  }
0x77: {  	_ =	shalt  }
0x78: {  	_ =	shalt  }
0x79: {  	_ =	shalt  }
0x7a: {  	_ =	shalt  }
0x7b: {  	_ =	shalt  }
0x7c: {  	_ =	shalt  }
0x7d: {  	_ =	shalt  }
0x7e: {  	_ =	shalt  }
0x7f: {  	_ =	shalt  }
0x80: {  	_ =	shalt  }
0x81: {  	_ =	shalt  }
0x82: {  	_ =	shalt  }
0x83: {  	_ =	shalt  }
0x84: {  	_ =	shalt  }
0x85: {  	_ =	shalt  }
0x86: {  	_ =	shalt  }
0x87: {  	_ =	shalt  }
.Lfunc_end0:
.L_simem_size_0:
called_computation.2_lowered:
.L_overlay_start_0:
0x88: {  	s2 =	sld [smem:$0x3FD9]  }
0x89: {  	s3 =	sld [smem:$0x3FFE];
	_ =	sdelay $0x1  }
0x8a: {  	s1 =	srdreg.scid  }
0x8b: {  	s0 =	sand.u32 $0x1, s1  }
0x8c: {  	s17 =	sshll.u32 s0, $0xA;
	s2 =	sadd.s32 s3, s2  }
0x8d: {  	s2 =	sadd.s32 s2, s17  }
0x8e: {  	[smem:$0x3FC2] =	sst s2  }
0x8f: {  	_ = 	snop  }
0x90: {  	s2 =	sld [smem:$0x3FD0];
	(tm) =	ssettm $0x1  }
0x91: {  	s18 =	sld [smem:$0x3FFB];
	_ =	sdelay $0x3  }
0x92: {  	_ =	strace s18  }
0x93: {  	s3 =	sld [smem:$0x3FFC];
	_ =	sdelay $0x3  }
0x94: {  	_ =	strace s3  }
0x95: {  	s3 =	sld [smem:$0x3FFD];
	_ =	sdelay $0x3  }
0x96: {  	_ =	strace s3  }
0x97: {  	_ =	strace $0x8FFFFFFF  }
0x98: {  	s19 =	sld [smem:$0x3FDB];
	_ =	sdelay $0x1  }
0x99: {  	s4 =	simm.s32 $_scs_section_size  }
0x9a: {  	s5 =	simm.s32 $_size__tile_overlayer_lowered;
	s6 =	simm.s32 $_tile_overlayer_lowered  }
0x9b: {  	s22 =	simm.s32 $0x1BFF;
	s21 =	sshll.u32 s6, $0x1;
	s3 =	sadd.s32 s4, s19  }
0x9c: {  	s7 =	simm.s32 $0x0;
	s20 =	sshll.u32 s5, $0x1;
	s5 =	sadd.s32 s21, s3  }
0x9d: {  	[timem:s7], [sflag:s22] =	dma.local [hbm:s5], s20  }
0x9e: {  	_ =	swait.ge [sflag:s22], s20  }
0x9f: {  	s4 =	ssub.s32 $0x0, s20;
	[sflag:s22] =	ssyncset.done $0x0  }
0xa0: {  	[sflag:s22] =	ssyncadd.s32 s4;
	_ =	sdelay $0x1  }
0xa1: {  	s23 =	simm.s32 $0x1B8B  }
0xa2: {  	_ =	swait.ge [sflag:s23], $0x1  }
0xa3: {  	[sflag:s23] =	ssyncset.done $0x0  }
0xa4: {  	s25 =	simm.s32 $0x1B8E;
	s24 =	sld [smem:$0x3FFE];
	[sflag:s23] =	ssyncadd.s32 $0xFFFFFFFF  }
0xa5: {  	s26 =	simm.s32 $execute0_lowered;
	[smem:$0x3FD2] =	sst s25  }
0xa6: {  	s5 =	sshll.u32 s26, $0x1;
	_ =	strace $0x8000004C;
	[dreg:$0x1] =	wrdreg $0xFFFFFFFF  }
0xa7: {  	s28 =	simm.s32 $_size_execute0_lowered;
	s3 =	sadd.s32 s3, s5;
	[dreg:$0x0] =	wrdreg $0x0  }
0xa8: {  	s5 =	sshll.u32 s28, $0x1;
	[dreg:$0x2] =	wrdreg s3  }
0xa9: {  	[dreg:$0x3] =	wrdreg s5  }
0xaa: {  	[dreg:$0x4] =	wrdreg $0xC0  }
0xab: {  	_ =	task [dreg:s7], $0x5FFFF  }
0xac: {  	[dreg:$0x1] =	wrdreg $0xFFFFFFFF  }
0xad: {  	[dreg:$0x0] =	wrdreg $0x60  }
0xae: {  	[dreg:$0x2] =	wrdreg s24  }
0xaf: {  	[dreg:$0x3] =	wrdreg s2  }
0xb0: {  	[dreg:$0x4] =	wrdreg $0xBC000  }
0xb1: {  	[dreg:$0x5] =	wrdreg $0x9  }
0xb2: {  	_ =	task.clear_ibuf [dreg:s7], $0x6FFFF;
	_ =	strace $0x9000004C  }
0xb3: {  	s29 =	simm.s32 $0x9;
	_ =	strace $0x8000004E  }
0xb4: {  	_ =	swait.ge [sflag:s29], $0x1  }
0xb5: {  	[sflag:s29] =	ssyncadd.s32 $0xFFFFFFFF  }
0xb6: {  	_ =	strace $0x9000004E  }
0xb7: {  	_ =	sfence  }
0xb8: {  	s30 =	sld [smem:$0x0];
	_ =	sdelay $0x2  }
0xb9: {  	s31 =	sshll.u32 s1, $0xD;
	s1 =	sshrl.u32 s1, $0x2  }
0xba: {  	s3 =	sand.u32 $0x4000, s31;
	s1 =	sadd.s32 s1, s30  }
0xbb: {  	s0 =	sor.u32 s3, s0;
	s1 =	sshll.u32 s1, $0x11  }
0xbc: {  	s0 =	sor.u32 s1, s0  }
0xbd: {  	s0 =	sadd.s32 $0x8F2B, s0  }
0xbe: {  	[sflag:s0] =	ssyncadd.remote.s32 $0x1  }
0xbf: {  	_ =	sfence.sel $0xFFFF  }
0xc0: {  	[dreg:$0x0] =	wrdreg $0xFFFFFFFF;
	(pc) =	sbr.abs _section_cstart, $3  }
0xc1: {  	[dreg:$0x1] =	wrdreg $0xFFFFFFFF  }
0xc2: {  	_ =	task.clear_ibuf [dreg:s7], $0x2FFFF;
	_ =	strace $0x9FFFFFFF  }
0xc3: {  	(tm) =	ssettm $0x7FFFFFFF  }
tec
execute0_lowered:
.L_overlay_start_1:
0x0: {  	(tag) =	ssettag $0x1  }
0x1: {  	s0 =	rddreg [dreg:$0x0]  }
0x2: {  	s1 =	rddreg [dreg:$0x1];
	s9 =	stileid.u32  }
0x3: {  	s2 =	rddreg [dreg:$0x2];
	s5 =	smul.u32 $0x3C, s9  }
0x4: {  	s3 =	simm.s32 $0x0;
	s4 =	srdreg.scid;
	s7 =	smul.u32 $0x14, s9  }
0x5: {  	s17 =	simm.s32 $0x3;
	s20 =	simm.s32 $0x80;
	s8 =	smul.u32 $0x27000, s9  }
0x6: {  	[smem:$0x7FF] =	sst s3;
	s6 =	sand.u32 $0x1, s4;
	s11 =	smul.u32 $0x2700, s9  }
0x7: {  	s4 =	sadd.s32 $0x37C00, s0;
	s10 =	sadd.s32 $0xBA00, s0;
	s13 =	smul.u32 $0x4E000, s9  }
0x8: {  	p1 =	seq.s32 s9, $0xF;
	p2 =	sne.s32 s9, $0xF;
	_ =	strace $0x8000004D  }
0x9: {  	p0 =	seq.s32 s6, $0x0;
	s21 =	ssub.s32 $0x2, s6;
	s12 =	smul.u32 $0x27100, s6  }
0xa: {  	[dreg:$0x4] =	wrdreg s10;
	s14 =	smul.u32 $0x271000, s6;
	s5 =	sadd.s32 $0x140, s5  }
0xb: {  	s22 =	sshrl.u32 s21, $0x1;
	s23 =	sshrl.u32 s8, $0x1;
	s8 =	sshrl.u32 s8, $0x4  }
0xc: {  	s28 =	sshrl.u32 s13, $0x2;
	s5 =	smov.u32 @p0 s7;
	s16 =	sadd.s32 s23, s2  }
0xd: {  	s24 =	sadd.s32 s10, s8;
	s7 =	sadd.s32 $0x138000, s2;
	s8 =	sadd.s32 s4, s8  }
0xe: {  	s26 =	sadd.s32 s11, s12;
	s29 =	sshrl.u32 s14, $0x4;
	s30 =	sadd.s32 s28, s2  }
0xf: {  	s14 =	sshll.u32 s9, $0x6;
	p0 =	sne.s32 s6, $0x0;
	[dreg:$0x5] =	wrdreg s24  }
0x10: {  	s23 =	simm.s32 $0x1;
	s5 =	sshll.u32 s5, $0x4;
	[dreg:$0x6] =	wrdreg s8  }
0x11: {  	s11 =	sadd.s32 s1, s26;
	s1 =	sadd.s32 s1, s29;
	s15 =	sor.u32 $0x1C03, s14  }
0x12: {  	s16 =	sshrl.u32 s16, $0x3;
	s31 =	sshrl.u32 s7, $0x3;
	s24 =	simm.s32 $0x2  }
0x13: {  	s26 =	simm.s32 $0x0;
	s0 =	sadd.s32 s5, s0;
	s5 =	ssub.s32 s21, s22  }
0x14: {  	s12 =	sadd.s32 $0x27000, s1;
	[dreg:$0x8] =	wrdreg s31;
	s21 =	simm.s32 $0x3C00  }
0x15: {  	s22 =	simm.s32 $0x7C00;
	s25 =	sadd.s32 $0x32C00, s0;
	s10 =	sadd.s32 $0x1800, s0  }
0x16: {  	s13 =	smax.u32 s5, $0x1;
	[dreg:$0x7] =	wrdreg s25;
	s25 =	sshrl.u32 s30, $0x3  }
.LBB2_1:
.Ltmp0:
0x17: {  	(pc) =	sbr.rel @p0 .LBB2_3-.Ltmp0, $1  }
0x18: {  	_ =	sdelay $0x3  }
0x19: {  	s0 =	rddreg [dreg:$0x6]  }
0x1a: {  	[spmem:s16], [sflag:s15] =	dma.local [hbm:s0], $0x2700  }
.Ltmp1:
0x1b: {  	_ = 	snop;
	(pc) =	sbr.rel @p1 .LBB2_4-.Ltmp1, $4  }
.Ltmp2:
0x1c: {  	_ = 	snop;
	(pc) =	sbr.rel @!p1 .LBB2_5-.Ltmp2, $4  }
0x1d: {  	_ =	swait.ge [sflag:s17], $0x2700  }
0x1e: {  	s28 =	simm.s32 $0x14;
	[sflag:s17] =	ssyncset.done $0x0  }
0x1f: {  	s1 =	smov.u32 s4;
	s0 =	smov.u32 s15;
	[sflag:s17] =	ssyncadd.s32 $0xFFFFD900  }
0x20: {  	_ = 	snop  }
.LBB2_3:
.Ltmp3:
0x21: {  	s0 =	sor.u32 $0x1C03, s14;
	s1 =	rddreg [dreg:$0x5];
	(pc) =	sbr.rel @p2 .LBB2_5-.Ltmp3, $4  }
0x22: {  	[spmem:s16], [sflag:s0] =	dma.local [hbm:s1], $0x2700  }
0x23: {  	_ =	swait.ge [sflag:s17], $0x2700  }
0x24: {  	[sflag:s17] =	ssyncset.done $0x0  }
0x25: {  	s28 =	simm.s32 $0x3C;
	s1 =	rddreg [dreg:$0x4];
	[sflag:s17] =	ssyncadd.s32 $0xFFFFD900  }
.LBB2_4:
0x26: {  	s1 =	sadd.s32 $0x27000, s1;
	s5 =	rddreg [dreg:$0x8]  }
0x27: {  	[spmem:s5], [sflag:s0] =	dma.local [hbm:s1], $0x100  }
0x28: {  	_ =	swait.ge [sflag:s17], $0x100  }
0x29: {  	[sflag:s17] =	ssyncset.done $0x0  }
0x2a: {  	[sflag:s17] =	ssyncadd.s32 $0xFFFFFF00  }
.LBB2_5:
0x2b: {  	s0 =	rddreg [dreg:$0x7];
	s9 =	simm.s32 $0x3  }
0x2c: {  	[tilespmem:s3], [sflag:$0x3] =	stream.linear.gather [hbm4b:s0+s3], $0x1E00, $0x38;
	[tilespmem:$0x1F4C0] =	vst v63  }
0x2d: {  	_ =	swait.ge [sflag:s9], $0x1E00  }
0x2e: {  	[sflag:s9] =	ssyncset.done $0x0  }
0x2f: {  	s1 =	simm.s32 $0x1E00;
	[sflag:s9] =	ssyncadd.s32 $0xFFFFE200  }
0x30: {  	[tilespmem:s1], [sflag:$0x3] =	stream.linear.gather [hbm4b:s10+s3], $0x1E00, $0x38;
	[tilespmem:$0x1F4C0] =	vst v63  }
0x31: {  	_ =	swait.ge [sflag:s9], $0x1E00  }
0x32: {  	[sflag:s9] =	ssyncset.done $0x0  }
0x33: {  	[sflag:s9] =	ssyncadd.s32 $0xFFFFE200  }
0x34: {  	[bflag:$0x0] =	sbarrier.arrive $0xFFFF  }
0x35: {  	[tilespmem:s21], [sflag:$0x1] =	stream.indirect.gather [hbm4b:s4+s20], $0x80, s3, s20, $0xb8;
	[tilespmem:$0x1F4C0] =	vst v63  }
0x36: {  	_ = 	snop  }
0x37: {  	[tilespmem:s22], [sflag:$0x2] =	stream.indirect.gather [hbm4b:s4+s20], $0x80, s20, s20, $0xb8;
	[tilespmem:$0x1F4C0] =	vst v63  }
0x38: {  	_ =	swait.ge [sflag:s23], $0x4000  }
0x39: {  	[sflag:s23] =	ssyncset.done $0x0  }
0x3a: {  	s18 =	simm.s32 $0x1E00;
	[sflag:s23] =	ssyncadd.s32 $0xFFFFC000  }
0x3b: {  	[spmem:s2] =	stream.indirect.scatter.add.bf16 [tilespmem:s21], [sflag:$0x3], $0x80, s18, s20, $0xb8;
	[tilespmem:$0x1F4C0] =	vst v63  }
0x3c: {  	p3 =	sle.u32 s28, $0x2;
	s19 =	sshrl.u32 s28, $0x1;
	_ =	swait.ge [sflag:s17], $0x4000  }
0x3d: {  	s5 =	simm.s32 @!p3 $0x80;
	s6 =	simm.s32 @!p3 $0x3C00;
	[sflag:s17] =	ssyncset.done $0x0  }
0x3e: {  	s0 =	sadd.s32 $0xFFFFFFFF, s19;
	s1 =	simm.s32 @!p3 $0x100;
	[sflag:s17] =	ssyncadd.s32 $0xFFFFC000  }
0x3f: {  	[tilespmem:s6], [sflag:$0x1] =	stream.indirect.gather @!p3 [hbm4b:s4+s5], $0x80, s1, s5, $0xb8;
	[tilespmem:$0x1F4C0] =	vst v63  }
0x40: {  	s29 =	simm.s32 $0x180;
	s1 =	sadd.s32 $0xFFFFFFFF, s0  }
0x41: {  	s31 =	simm.s32 $0x1F80;
	_ =	swait.ge [sflag:s24], $0x4000;
	p3 =	sne.s32 s1, $0x0  }
.Ltmp4:
0x42: {  	p4 =	sle.u32 s28, $0x3;
	[sflag:s24] =	ssyncset.done $0x0;
	(pc) =	sbr.rel @!p3 .LBB2_7-.Ltmp4, $4  }
0x43: {  	s30 =	simm.s32 $0x5;
	s0 =	simm.s32 $0x1E80;
	[sflag:s24] =	ssyncadd.s32 $0xFFFFC000  }
0x44: {  	[spmem:s2] =	stream.indirect.scatter.add.bf16 [tilespmem:s22], [sflag:$0x3], $0x80, s0, s20, $0xb8;
	[tilespmem:$0x1F4C0] =	vst v63  }
0x45: {  	s8 =	simm.s32 @!p4 $0x80;
	s19 =	simm.s32 @!p4 $0x7C00;
	_ =	swait.ge [sflag:s17], $0x4000  }
0x46: {  	s5 =	simm.s32 $0x180;
	s6 =	simm.s32 $0x180;
	[sflag:s17] =	ssyncset.done $0x0  }
.LBB2_6:
0x47: {  	s6 =	smov.u32 s29;
	s0 =	smov.u32 s31  }
0x48: {  	s1 =	sadd.s32 $0xFFFFFFFF, s1;
	s29 =	sadd.s32 $0x100, s29;
	[sflag:s17] =	ssyncadd.s32 $0xFFFFC000  }
0x49: {  	[tilespmem:s19], [sflag:$0x2] =	stream.indirect.gather @!p4 [hbm4b:s4+s8], $0x80, s5, s8, $0xb8;
	[tilespmem:$0x1F4C0] =	vst v63  }
0x4a: {  	p3 =	sne.s32 s1, $0x0;
	s5 =	smov.u32 s29;
	_ =	swait.ge [sflag:s23], $0x4000  }
0x4b: {  	s8 =	sadd.s32 $0xFFFFFF80, s31;
	s19 =	smov.u32 s31;
	[sflag:s23] =	ssyncset.done $0x0  }
0x4c: {  	s18 =	sadd.s32 $0xFFFFFFFF, s30;
	[sflag:s23] =	ssyncadd.s32 $0xFFFFC000  }
0x4d: {  	[spmem:s2] =	stream.indirect.scatter.add.bf16 [tilespmem:s21], [sflag:$0x3], $0x80, s8, s20, $0xb8;
	[tilespmem:$0x1F4C0] =	vst v63  }
0x4e: {  	p4 =	sge.u32 s18, s28;
	_ =	swait.ge [sflag:s17], $0x4000  }
0x4f: {  	s18 =	simm.s32 @!p4 $0x80;
	s8 =	sadd.s32 @!p4 $0xFFFFFF80, s29;
	[sflag:s17] =	ssyncset.done $0x0  }
0x50: {  	s9 =	simm.s32 @!p4 $0x3C00;
	[sflag:s17] =	ssyncadd.s32 $0xFFFFC000  }
0x51: {  	[tilespmem:s9], [sflag:$0x1] =	stream.indirect.gather @!p4 [hbm4b:s4+s18], $0x80, s8, s18, $0xb8;
	[tilespmem:$0x1F4C0] =	vst v63  }
0x52: {  	_ =	swait.ge [sflag:s24], $0x4000  }
.Ltmp5:
0x53: {  	[sflag:s24] =	ssyncset.done $0x0;
	(pc) =	sbr.rel @p3 .LBB2_6-.Ltmp5, $4  }
0x54: {  	s31 =	sadd.s32 $0x100, s31;
	[sflag:s24] =	ssyncadd.s32 $0xFFFFC000  }
0x55: {  	[spmem:s2] =	stream.indirect.scatter.add.bf16 [tilespmem:s22], [sflag:$0x3], $0x80, s19, s20, $0xb8;
	[tilespmem:$0x1F4C0] =	vst v63  }
0x56: {  	p4 =	sge.u32 s30, s28;
	s30 =	sadd.s32 $0x2, s30;
	_ =	swait.ge [sflag:s17], $0x4000  }
0x57: {  	s8 =	simm.s32 @!p4 $0x80;
	s19 =	simm.s32 @!p4 $0x7C00;
	[sflag:s17] =	ssyncset.done $0x0  }
.LBB2_7:
0x58: {  	[sflag:s17] =	ssyncadd.s32 $0xFFFFC000  }
0x59: {  	[tilespmem:s19], [sflag:$0x2] =	stream.indirect.gather @!p4 [hbm4b:s4+s8], $0x80, s5, s8, $0xb8;
	[tilespmem:$0x1F4C0] =	vst v63  }
0x5a: {  	_ =	swait.ge [sflag:s23], $0x4000  }
0x5b: {  	[sflag:s23] =	ssyncset.done $0x0  }
0x5c: {  	s0 =	sadd.s32 $0x80, s0;
	s19 =	sadd.s32 $0xFFFFFFFF, s30;
	[sflag:s23] =	ssyncadd.s32 $0xFFFFC000  }
0x5d: {  	[spmem:s2] =	stream.indirect.scatter.add.bf16 [tilespmem:s21], [sflag:$0x3], $0x80, s0, s20, $0xb8;
	[tilespmem:$0x1F4C0] =	vst v63  }
0x5e: {  	p3 =	sge.u32 s19, s28;
	_ =	swait.ge [sflag:s17], $0x4000  }
0x5f: {  	s1 =	simm.s32 @!p3 $0x80;
	[sflag:s17] =	ssyncset.done $0x0  }
0x60: {  	s5 =	simm.s32 @!p3 $0x3C00;
	s0 =	sadd.s32 @!p3 $0x80, s6;
	[sflag:s17] =	ssyncadd.s32 $0xFFFFC000  }
0x61: {  	[tilespmem:s5], [sflag:$0x1] =	stream.indirect.gather @!p3 [hbm4b:s4+s1], $0x80, s0, s1, $0xb8;
	[tilespmem:$0x1F4C0] =	vst v63  }
0x62: {  	_ =	swait.ge [sflag:s24], $0x4000  }
0x63: {  	[sflag:s24] =	ssyncset.done $0x0  }
0x64: {  	[sflag:s24] =	ssyncadd.s32 $0xFFFFC000  }
0x65: {  	[spmem:s2] =	stream.indirect.scatter.add.bf16 [tilespmem:s22], [sflag:$0x3], $0x80, s31, s20, $0xb8;
	[tilespmem:$0x1F4C0] =	vst v63  }
0x66: {  	_ =	swait.ge [sflag:s17], $0x4000  }
0x67: {  	s0 =	sadd.s32 $0x100, s29;
	p3 =	sge.u32 s30, s28;
	[sflag:s17] =	ssyncset.done $0x0  }
0x68: {  	s1 =	simm.s32 @!p3 $0x80;
	s5 =	simm.s32 @!p3 $0x7C00;
	[sflag:s17] =	ssyncadd.s32 $0xFFFFC000  }
0x69: {  	[tilespmem:s5], [sflag:$0x2] =	stream.indirect.gather @!p3 [hbm4b:s4+s1], $0x80, s0, s1, $0xb8;
	[tilespmem:$0x1F4C0] =	vst v63  }
0x6a: {  	s0 =	sor.u32 $0x1C03, s14;
	[bflag:$0x0] =	sbarrier.arrive $0xFFFF  }
0x6b: {  	[hbm:s11], [sflag:s0] =	dma.local [spmem:s25], $0x2700  }
0x6c: {  	_ =	swait.ge [sflag:s17], $0x2700  }
0x6d: {  	s26 =	sadd.s32 $0x1, s26;
	[sflag:s17] =	ssyncset.done $0x0  }
0x6e: {  	s1 =	sshrl.u32 @!p2 s7, $0x3;
	p3 =	sne.s32 s26, s13;
	[sflag:s17] =	ssyncadd.s32 $0xFFFFD900  }
0x6f: {  	[hbm:s12], [sflag:s0] =	dma.local @!p2 [spmem:s1], $0x100  }
.Ltmp6:
0x70: {  	_ = 	snop;
	(pc) =	sbr.rel @p3 .LBB2_1-.Ltmp6, $4  }
0x71: {  	s0 =	simm.s32 @!p2 $0x3  }
0x72: {  	_ =	swait.ge @!p2 [sflag:s0], $0x100  }
0x73: {  	[sflag:s0] =	ssyncset.done @!p2 $0x0  }
0x74: {  	[sflag:s0] =	ssyncadd.s32 @!p2 $0xFFFFFF00  }
0x75: {  	_ =	sfence.sel $0x180000  }
0x76: {  	[bflag:$0x0] =	sbarrier.arrive $0xFFFF  }
0x77: {  	_ =	strace $0x9000004D  }
0x78: {  	s0 =	stileid.u32;
	[bflag:$0x2] =	sbarrier.arrive $0xFFFF  }
0x79: {  	p0 =	sne.s32 s0, $0x0;
	s0 =	rddreg [dreg:$0x3]  }
0x7a: {  	s0 =	sadd.s32 @!p0 $0x100000, s0  }
0x7b: {  	[sflag:s0] =	ssyncadd.tile.s32 @!p0 $0x1;
	_ =	shalt  }
.Lfunc_end2:
_tile_overlayer_lowered:
.L_overlay_start_2:
0x7c: {  	(tag) =	ssettag $0x2  }
0x7d: {  	s0 =	rddreg [dreg:$0x0];
	s2 =	stileid.u32  }
0x7e: {  	s1 =	rddreg [dreg:$0x1];
	p0 =	sne.s32 s2, $0x0  }
0x7f: {  	s3 =	rddreg [dreg:$0x2];
	[bflag:$0x3] =	sbarrier.arrive $0xFFFF;
	s2 =	simm.s32 @!p0 $0x1C03  }
0x80: {  	[timem:s3], [sflag:s2] =	dma.local @!p0 [hbm:s0], s1  }
0x81: {  	s0 =	simm.s32 @!p0 $0x3  }
0x82: {  	_ =	swait.ge @!p0 [sflag:s0], s1  }
0x83: {  	s1 =	ssub.s32 @!p0 $0x0, s1;
	[sflag:s0] =	ssyncset.done @!p0 $0x0  }
0x84: {  	[sflag:s0] =	ssyncadd.s32 @!p0 s1  }
0x85: {  	[bflag:$0x3] =	sbarrier.arrive $0xFFFF  }
0x86: {  	_ =	shalt  }

// kernel: kernel.8.cloned.1.call-start
scs
__scs_entry_jumppad:
0x0: {  	(pc) =	sbr.rel $0x88, $3  }
0x1: {  	(tag) =	ssettag $0x0;
	lr =	simm.s32 $0x1  }
0x2: {  	[smem:$0x3F9B] =	sst lr;
	_ =	strace $0xD0000000  }
0x3: {  	_ = 	snop  }
0x4: {  	_ = 	snop  }
0x5: {  	_ = 	snop  }
0x6: {  	_ = 	snop  }
0x7: {  	_ = 	snop  }
__scs_overlays_trampoline_lowered:
0x8: {  	[smem:$0x3FAA] =	sst s0  }
0x9: {  	[smem:$0x3FAB] =	sst s1  }
0xa: {  	[smem:$0x3FAC] =	sst s2  }
0xb: {  	[smem:$0x3FAD] =	sst s3  }
0xc: {  	[smem:$0x3FAE] =	sst s4  }
0xd: {  	[smem:$0x3FAF] =	sst s5  }
0xe: {  	[smem:$0x3FB0] =	sst s6  }
0xf: {  	[smem:$0x3FB1] =	sst s7  }
0x10: {  	[smem:$0x3FB2] =	sst s8  }
0x11: {  	[smem:$0x3FB3] =	sst s9;
	s0 =	simm.s32 @!p0 $0x0  }
0x12: {  	s1 =	sld [smem:$0x3F99];
	s0 =	simm.s32 @p0 $0x1  }
0x13: {  	[smem:$0x3FB4] =	sst s0;
	s0 =	simm.s32 @!p1 $0x0  }
0x14: {  	s2 =	sld [smem:$0x3F98];
	s0 =	simm.s32 @p1 $0x1  }
0x15: {  	[smem:$0x3FB5] =	sst s0;
	s0 =	simm.s32 @!p2 $0x0  }
0x16: {  	s3 =	sld [smem:$0x3FDB];
	s0 =	simm.s32 @p2 $0x1  }
0x17: {  	s4 =	simm.s32 $0x1BF5;
	[smem:$0x3FB7] =	sst s0  }
0x18: {  	s0 =	sld [smem:$0x3F9A];
	_ =	swait.ge [sflag:s4], $0x0  }
0x19: {  	s7 =	sld [smem:$0x3F9B]  }
0x1a: {  	s8 =	sadd.s32 $0xFFFFE003, lr  }
0x1b: {  	s9 =	sadd.s32 $0xFFFFFEF7, lr;
	s5 =	simm.s32 $0xFFFFFFFF;
	p2 =	slt.u32 s8, $0xFFFFF086  }
0x1c: {  	p1 =	slt.u32 s9, $0xF7A;
	s5 =	simm.s32 @!p2 $0x0  }
0x1d: {  	s5 =	simm.s32 @p1 $0x1;
	p0 =	seq.s32 s7, s2  }
0x1e: {  	s7 =	smul.u32 @!p0 $0xF7A, s2;
	p2 =	seq.s32 @!p0 s5, $0x0  }
0x1f: {  	s9 =	smul.u32 $0xF7A, s1;
	s8 =	simm.s32 @!p0 $0x1BF5;
	p2 =	por !p2, p0  }
0x20: {  	[sflag:s8] =	ssyncset.s32 @!p0 $0xFFFFF086;
	s6 =	sadd.s32 @!p0 s3, s7;
	s7 =	simm.s32 @!p0 $0x108  }
0x21: {  	s3 =	sadd.s32 s3, s9;
	s6 =	sadd.s32 @!p0 $0x88, s6;
	s7 =	simm.s32 @p2 $0x1082  }
0x22: {  	[simem:s7], [sflag:s8] =	dma.local @!p0 [hbm:s6], $0xF7A  }
0x23: {  	s9 =	sor.u32 $0xD0000000, s2;
	s6 =	simm.s32 $0x108;
	_ =	swait.ge @!p0 [sflag:s8], $0x0  }
0x24: {  	s3 =	sadd.s32 $0x88, s3;
	s6 =	simm.s32 @!p1 $0x1082;
	[sflag:s4] =	ssyncset.s32 $0xFFFFF086  }
0x25: {  	[simem:s6], [sflag:s4] =	dma.local [hbm:s3], $0xF7A  }
0x26: {  	[smem:$0x3F9B] =	sst s1;
	(tag) =	ssettag s2;
	_ =	strace s9  }
0x27: {  	s1 =	sld [smem:$0x3FAB]  }
0x28: {  	s2 =	sld [smem:$0x3FAC]  }
0x29: {  	s4 =	sld [smem:$0x3FAE]  }
0x2a: {  	p0 =	seq.s32 s5, $0x0;
	s5 =	sld [smem:$0x3FAF]  }
0x2b: {  	s6 =	sld [smem:$0x3FB0]  }
0x2c: {  	s7 =	sld [smem:$0x3FB1]  }
0x2d: {  	s3 =	simm.s32 $0x108;
	s8 =	sld [smem:$0x3FB2]  }
0x2e: {  	s3 =	simm.s32 @!p0 $0x1082;
	s9 =	sld [smem:$0x3FB3]  }
0x2f: {  	lr =	sadd.s32 s0, s3;
	s0 =	sld [smem:$0x3FAA]  }
0x30: {  	s3 =	sld [smem:$0x3FAD]  }
0x31: {  	[smem:$0x3FB6] =	sst s10  }
0x32: {  	s10 =	sld [smem:$0x3FB4];
	_ =	sdelay $0x3  }
0x33: {  	p0 =	seq.s32 s10, $0x1;
	s10 =	sld [smem:$0x3FB6];
	_ =	sdelay $0x3  }
0x34: {  	[smem:$0x3FB6] =	sst s10  }
0x35: {  	s10 =	sld [smem:$0x3FB5];
	_ =	sdelay $0x3  }
0x36: {  	p1 =	seq.s32 s10, $0x1;
	s10 =	sld [smem:$0x3FB6];
	_ =	sdelay $0x3  }
0x37: {  	[smem:$0x3FB6] =	sst s10  }
0x38: {  	s10 =	sld [smem:$0x3FB7]  }
0x39: {  	_ = 	snop;
	(pc) =	sbr.ind lr, $3  }
0x3a: {  	_ = 	snop  }
0x3b: {  	_ = 	snop  }
0x3c: {  	p2 =	seq.s32 s10, $0x1;
	s10 =	sld [smem:$0x3FB6]  }
0x3d: {  	_ =	shalt  }
0x3e: {  	_ =	shalt  }
0x3f: {  	_ =	shalt  }
0x40: {  	_ =	shalt  }
0x41: {  	_ =	shalt  }
0x42: {  	_ =	shalt  }
0x43: {  	_ =	shalt  }
0x44: {  	_ =	shalt  }
0x45: {  	_ =	shalt  }
0x46: {  	_ =	shalt  }
0x47: {  	_ =	shalt  }
0x48: {  	_ =	shalt  }
0x49: {  	_ =	shalt  }
0x4a: {  	_ =	shalt  }
0x4b: {  	_ =	shalt  }
0x4c: {  	_ =	shalt  }
0x4d: {  	_ =	shalt  }
0x4e: {  	_ =	shalt  }
0x4f: {  	_ =	shalt  }
0x50: {  	_ =	shalt  }
0x51: {  	_ =	shalt  }
0x52: {  	_ =	shalt  }
0x53: {  	_ =	shalt  }
0x54: {  	_ =	shalt  }
0x55: {  	_ =	shalt  }
0x56: {  	_ =	shalt  }
0x57: {  	_ =	shalt  }
0x58: {  	_ =	shalt  }
0x59: {  	_ =	shalt  }
0x5a: {  	_ =	shalt  }
0x5b: {  	_ =	shalt  }
0x5c: {  	_ =	shalt  }
0x5d: {  	_ =	shalt  }
0x5e: {  	_ =	shalt  }
0x5f: {  	_ =	shalt  }
0x60: {  	_ =	shalt  }
0x61: {  	_ =	shalt  }
0x62: {  	_ =	shalt  }
0x63: {  	_ =	shalt  }
0x64: {  	_ =	shalt  }
0x65: {  	_ =	shalt  }
0x66: {  	_ =	shalt  }
0x67: {  	_ =	shalt  }
0x68: {  	_ =	shalt  }
0x69: {  	_ =	shalt  }
0x6a: {  	_ =	shalt  }
0x6b: {  	_ =	shalt  }
0x6c: {  	_ =	shalt  }
0x6d: {  	_ =	shalt  }
0x6e: {  	_ =	shalt  }
0x6f: {  	_ =	shalt  }
0x70: {  	_ =	shalt  }
0x71: {  	_ =	shalt  }
0x72: {  	_ =	shalt  }
0x73: {  	_ =	shalt  }
0x74: {  	_ =	shalt  }
0x75: {  	_ =	shalt  }
0x76: {  	_ =	shalt  }
0x77: {  	_ =	shalt  }
0x78: {  	_ =	shalt  }
0x79: {  	_ =	shalt  }
0x7a: {  	_ =	shalt  }
0x7b: {  	_ =	shalt  }
0x7c: {  	_ =	shalt  }
0x7d: {  	_ =	shalt  }
0x7e: {  	_ =	shalt  }
0x7f: {  	_ =	shalt  }
0x80: {  	_ =	shalt  }
0x81: {  	_ =	shalt  }
0x82: {  	_ =	shalt  }
0x83: {  	_ =	shalt  }
0x84: {  	_ =	shalt  }
0x85: {  	_ =	shalt  }
0x86: {  	_ =	shalt  }
0x87: {  	_ =	shalt  }
.Lfunc_end0:
.L_simem_size_0:
called_computation_lowered:
.L_overlay_start_0:
0x88: {  	s2 =	sld [smem:$0x3FD9]  }
0x89: {  	s3 =	sld [smem:$0x3FFE];
	_ =	sdelay $0x1  }
0x8a: {  	s1 =	srdreg.scid  }
0x8b: {  	s0 =	sand.u32 $0x1, s1  }
0x8c: {  	s17 =	sshll.u32 s0, $0xA;
	s2 =	sadd.s32 s3, s2  }
0x8d: {  	s2 =	sadd.s32 s2, s17  }
0x8e: {  	[smem:$0x3FC2] =	sst s2  }
0x8f: {  	_ = 	snop  }
0x90: {  	s2 =	sld [smem:$0x3FD0];
	(tm) =	ssettm $0x1  }
0x91: {  	s18 =	sld [smem:$0x3FFB];
	_ =	sdelay $0x3  }
0x92: {  	_ =	strace s18  }
0x93: {  	s3 =	sld [smem:$0x3FFC];
	_ =	sdelay $0x3  }
0x94: {  	_ =	strace s3  }
0x95: {  	s3 =	sld [smem:$0x3FFD];
	_ =	sdelay $0x3  }
0x96: {  	_ =	strace s3  }
0x97: {  	_ =	strace $0x8FFFFFFF  }
0x98: {  	s19 =	sld [smem:$0x3FDB];
	_ =	sdelay $0x1  }
0x99: {  	s4 =	simm.s32 $_scs_section_size  }
0x9a: {  	s5 =	simm.s32 $_size__tile_overlayer_lowered;
	s6 =	simm.s32 $_tile_overlayer_lowered  }
0x9b: {  	s22 =	simm.s32 $0x1BFF;
	s21 =	sshll.u32 s6, $0x1;
	s3 =	sadd.s32 s4, s19  }
0x9c: {  	s7 =	simm.s32 $0x0;
	s20 =	sshll.u32 s5, $0x1;
	s5 =	sadd.s32 s21, s3  }
0x9d: {  	[timem:s7], [sflag:s22] =	dma.local [hbm:s5], s20  }
0x9e: {  	_ =	swait.ge [sflag:s22], s20  }
0x9f: {  	s4 =	ssub.s32 $0x0, s20;
	[sflag:s22] =	ssyncset.done $0x0  }
0xa0: {  	[sflag:s22] =	ssyncadd.s32 s4;
	_ =	sdelay $0x1  }
0xa1: {  	s23 =	simm.s32 $0x1B8B  }
0xa2: {  	_ =	swait.ge [sflag:s23], $0x1  }
0xa3: {  	[sflag:s23] =	ssyncset.done $0x0  }
0xa4: {  	s25 =	simm.s32 $0x1B8E;
	s24 =	sld [smem:$0x3FFE];
	[sflag:s23] =	ssyncadd.s32 $0xFFFFFFFF  }
0xa5: {  	s26 =	simm.s32 $execute0_lowered;
	[smem:$0x3FD2] =	sst s25  }
0xa6: {  	s5 =	sshll.u32 s26, $0x1;
	_ =	strace $0x80000046;
	[dreg:$0x1] =	wrdreg $0xFFFFFFFF  }
0xa7: {  	s28 =	simm.s32 $_size_execute0_lowered;
	s3 =	sadd.s32 s3, s5;
	[dreg:$0x0] =	wrdreg $0x0  }
0xa8: {  	s5 =	sshll.u32 s28, $0x1;
	[dreg:$0x2] =	wrdreg s3  }
0xa9: {  	[dreg:$0x3] =	wrdreg s5  }
0xaa: {  	[dreg:$0x4] =	wrdreg $0xC0  }
0xab: {  	_ =	task [dreg:s7], $0x5FFFF  }
0xac: {  	[dreg:$0x1] =	wrdreg $0xFFFFFFFF  }
0xad: {  	[dreg:$0x0] =	wrdreg $0x60  }
0xae: {  	[dreg:$0x2] =	wrdreg s24  }
0xaf: {  	[dreg:$0x3] =	wrdreg s2  }
0xb0: {  	[dreg:$0x4] =	wrdreg $0x8800  }
0xb1: {  	[dreg:$0x5] =	wrdreg $0x9  }
0xb2: {  	_ =	task.clear_ibuf [dreg:s7], $0x6FFFF;
	_ =	strace $0x90000046  }
0xb3: {  	s29 =	simm.s32 $0x9;
	_ =	strace $0x80000048  }
0xb4: {  	_ =	swait.ge [sflag:s29], $0x1  }
0xb5: {  	[sflag:s29] =	ssyncadd.s32 $0xFFFFFFFF  }
0xb6: {  	_ =	strace $0x90000048  }
0xb7: {  	_ =	sfence  }
0xb8: {  	s30 =	sld [smem:$0x0];
	_ =	sdelay $0x2  }
0xb9: {  	s31 =	sshll.u32 s1, $0xD;
	s1 =	sshrl.u32 s1, $0x2  }
0xba: {  	s3 =	sand.u32 $0x4000, s31;
	s1 =	sadd.s32 s1, s30  }
0xbb: {  	s0 =	sor.u32 s3, s0;
	s1 =	sshll.u32 s1, $0x11  }
0xbc: {  	s0 =	sor.u32 s1, s0  }
0xbd: {  	s0 =	sadd.s32 $0x8F2B, s0  }
0xbe: {  	[sflag:s0] =	ssyncadd.remote.s32 $0x1  }
0xbf: {  	_ =	sfence.sel $0xFFFF  }
0xc0: {  	[dreg:$0x0] =	wrdreg $0xFFFFFFFF;
	(pc) =	sbr.abs _section_cstart, $3  }
0xc1: {  	[dreg:$0x1] =	wrdreg $0xFFFFFFFF  }
0xc2: {  	_ =	task.clear_ibuf [dreg:s7], $0x2FFFF;
	_ =	strace $0x9FFFFFFF  }
0xc3: {  	(tm) =	ssettm $0x7FFFFFFF  }
tec
execute0_lowered:
.L_overlay_start_1:
0x0: {  	(tag) =	ssettag $0x1  }
0x1: {  	s8 =	rddreg [dreg:$0x0]  }
0x2: {  	s5 =	rddreg [dreg:$0x1]  }
0x3: {  	s2 =	rddreg [dreg:$0x2]  }
0x4: {  	s0 =	rddreg [dreg:$0x3];
	s1 =	stileid.u32  }
0x5: {  	s3 =	simm.s32 $0x0;
	s6 =	srdreg.scid;
	s4 =	smul.u32 $0x500, s1  }
0x6: {  	s17 =	simm.s32 $0x0;
	[smem:$0x7FF] =	sst s3;
	s9 =	smul.u32 $0x2700, s1  }
0x7: {  	s11 =	sand.u32 $0x1, s6;
	s13 =	smul.u32 $0x2780, s1;
	s31 =	sshll.u32 s1, $0x6  }
0x8: {  	s16 =	sadd.s32 $0x27000, s2;
	_ =	strace $0x80000047;
	s6 =	ssub.s32 $0x2, s11  }
0x9: {  	p0 =	sne.s32 s11, $0x0;
	s10 =	sadd.s32 s4, s8;
	s7 =	sshrl.u32 s9, $0x3  }
0xa: {  	s12 =	sshrl.u32 s6, $0x1;
	s4 =	sadd.s32 $0x6800, s8;
	s14 =	sadd.s32 s13, s2  }
0xb: {  	s30 =	sshrl.u32 s13, $0x3;
	s15 =	sadd.s32 s9, s2;
	p1 =	sne.s32 @!p0 s1, $0xF  }
0xc: {  	s13 =	simm.s32 $0x800;
	s7 =	sadd.s32 s7, s8;
	s12 =	ssub.s32 s6, s12  }
0xd: {  	s5 =	sadd.s32 s5, s30;
	s6 =	sor.u32 $0x1C01, s31;
	s8 =	sadd.s32 $0xB800, s8  }
0xe: {  	s10 =	sadd.s32 $0x1800, s10;
	s11 =	sshrl.u32 s14, $0x3;
	s14 =	simm.s32 $0x80  }
0xf: {  	p1 =	por p1, p0;
	s15 =	sshrl.u32 @!p0 s15, $0x3;
	s7 =	sadd.s32 $0x6A00, s7  }
0x10: {  	s9 =	smax.u32 s12, $0x1;
	s12 =	simm.s32 $0x1;
	s16 =	sshrl.u32 @!p1 s16, $0x3  }
.LBB2_1:
0x11: {  	[spmem:s11], [sflag:s6] =	dma.local [hbm:s5], $0x4F0  }
0x12: {  	_ =	swait.ge [sflag:s12], $0x4F0  }
0x13: {  	[sflag:s12] =	ssyncset.done $0x0  }
0x14: {  	[sflag:s12] =	ssyncadd.s32 $0xFFFFFB10  }
0x15: {  	[tilespmem:s3], [sflag:$0x1] =	stream.linear.gather [hbm4b:s4+s3], $0x800, $0x38;
	[tilespmem:$0x3000] =	vst v63  }
0x16: {  	_ =	swait.ge [sflag:s12], $0x800  }
0x17: {  	[sflag:s12] =	ssyncset.done $0x0  }
0x18: {  	[sflag:s12] =	ssyncadd.s32 $0xFFFFF800  }
0x19: {  	s18 =	sadd.s32 $0x0, s10;
	[bflag:$0x0] =	sbarrier.arrive $0xFFFF  }
0x1a: {  	[tilespmem:s13], [sflag:$0x1] =	stream.linear.gather [hbm4b:s18+s3], $0x80, $0x38;
	[tilespmem:$0x3000] =	vst v63  }
0x1b: {  	_ =	swait.ge [sflag:s12], $0x80  }
0x1c: {  	[sflag:s12] =	ssyncset.done $0x0  }
0x1d: {  	[sflag:s12] =	ssyncadd.s32 $0xFFFFFF80  }
0x1e: {  	[spmem:s2] =	stream.indirect.scatter.add.f32 [tilespmem:s3], [sflag:$0x1], $0x10, s13, s14, $0xb8;
	[tilespmem:$0x3000] =	vst v63  }
0x1f: {  	_ =	swait.ge [sflag:s12], $0x800  }
0x20: {  	s19 =	simm.s32 $0x20;
	s18 =	simm.s32 $0x10;
	[sflag:s12] =	ssyncset.done $0x0  }
.LBB2_2:
0x21: {  	s20 =	sadd.s32 s18, s10  }
0x22: {  	[sflag:s12] =	ssyncadd.s32 $0xFFFFF800;
	s18 =	smov.u32 s19;
	s21 =	sadd.s32 $0x10, s19  }
0x23: {  	[tilespmem:s13], [sflag:$0x1] =	stream.linear.gather [hbm4b:s20+s3], $0x80, $0x38;
	[tilespmem:$0x3000] =	vst v63  }
0x24: {  	p2 =	sne.s32 s19, $0x4F0;
	_ =	swait.ge [sflag:s12], $0x80  }
.Ltmp0:
0x25: {  	[sflag:s12] =	ssyncset.done $0x0;
	(pc) =	sbr.rel @p2 .LBB2_2-.Ltmp0, $4  }
0x26: {  	[sflag:s12] =	ssyncadd.s32 $0xFFFFFF80  }
0x27: {  	[spmem:s2] =	stream.indirect.scatter.add.f32 [tilespmem:s3], [sflag:$0x1], $0x10, s13, s14, $0xb8;
	[tilespmem:$0x3000] =	vst v63  }
0x28: {  	_ =	swait.ge [sflag:s12], $0x800  }
0x29: {  	s19 =	smov.u32 s21;
	[sflag:s12] =	ssyncset.done $0x0  }
0x2a: {  	s18 =	sadd.s32 s18, s10;
	[sflag:s12] =	ssyncadd.s32 $0xFFFFF800  }
0x2b: {  	[tilespmem:s13], [sflag:$0x1] =	stream.linear.gather [hbm4b:s18+s3], $0x80, $0x38;
	[tilespmem:$0x3000] =	vst v63  }
0x2c: {  	_ =	swait.ge [sflag:s12], $0x80  }
0x2d: {  	[sflag:s12] =	ssyncset.done $0x0  }
0x2e: {  	[sflag:s12] =	ssyncadd.s32 $0xFFFFFF80  }
0x2f: {  	[spmem:s2] =	stream.indirect.scatter.add.f32 [tilespmem:s3], [sflag:$0x1], $0x10, s13, s14, $0xb8;
	[tilespmem:$0x3000] =	vst v63  }
0x30: {  	_ =	swait.ge [sflag:s12], $0x800  }
0x31: {  	[sflag:s12] =	ssyncset.done $0x0  }
0x32: {  	[sflag:s12] =	ssyncadd.s32 $0xFFFFF800  }
0x33: {  	s18 =	simm.s32 @!p0 $0x1;
	[bflag:$0x0] =	sbarrier.arrive $0xFFFF  }
0x34: {  	[hbm:s7], [sflag:s6] =	dma.local @!p0 [spmem:s15], $0x4E0  }
0x35: {  	s17 =	sadd.s32 $0x1, s17;
	_ =	swait.ge @!p0 [sflag:s18], $0x4E0  }
0x36: {  	p2 =	sne.s32 s17, s9;
	[sflag:s18] =	ssyncset.done @!p0 $0x0  }
.Ltmp1:
0x37: {  	[sflag:s18] =	ssyncadd.s32 @!p0 $0xFFFFFB20;
	s18 =	simm.s32 @!p1 $0x1;
	(pc) =	sbr.rel @p2 .LBB2_1-.Ltmp1, $4  }
0x38: {  	[hbm:s8], [sflag:s6] =	dma.local @!p1 [spmem:s16], $0x20  }
0x39: {  	_ =	swait.ge @!p1 [sflag:s18], $0x20  }
0x3a: {  	[sflag:s18] =	ssyncset.done @!p1 $0x0  }
0x3b: {  	[sflag:s18] =	ssyncadd.s32 @!p1 $0xFFFFFFE0  }
0x3c: {  	_ =	sfence.sel $0x180000  }
0x3d: {  	[bflag:$0x0] =	sbarrier.arrive $0xFFFF  }
0x3e: {  	p0 =	sne.s32 s1, $0x0;
	_ =	strace $0x90000047  }
0x3f: {  	s0 =	sadd.s32 @!p0 $0x100000, s0;
	[bflag:$0x2] =	sbarrier.arrive $0xFFFF  }
0x40: {  	[sflag:s0] =	ssyncadd.tile.s32 @!p0 $0x1;
	_ =	shalt  }
.Lfunc_end2:
_tile_overlayer_lowered:
.L_overlay_start_2:
0x41: {  	(tag) =	ssettag $0x2  }
0x42: {  	s0 =	rddreg [dreg:$0x0];
	s2 =	stileid.u32  }
0x43: {  	s1 =	rddreg [dreg:$0x1];
	p0 =	sne.s32 s2, $0x0  }
0x44: {  	s3 =	rddreg [dreg:$0x2];
	[bflag:$0x3] =	sbarrier.arrive $0xFFFF;
	s2 =	simm.s32 @!p0 $0x1C01  }
0x45: {  	[timem:s3], [sflag:s2] =	dma.local @!p0 [hbm:s0], s1  }
0x46: {  	s0 =	simm.s32 @!p0 $0x1  }
0x47: {  	_ =	swait.ge @!p0 [sflag:s0], s1  }
0x48: {  	s1 =	ssub.s32 @!p0 $0x0, s1;
	[sflag:s0] =	ssyncset.done @!p0 $0x0  }
0x49: {  	[sflag:s0] =	ssyncadd.s32 @!p0 s1  }
0x4a: {  	[bflag:$0x3] =	sbarrier.arrive $0xFFFF  }
0x4b: {  	_ =	shalt  }

</sc_bundles>
